<compile_context>
chip_gen: v7x
topology: tpu7x:2x2x1
jax: 0.10.2.dev20260603
libtpu: 0.0.44.dev20260713+nightly
codegen_flags: <defaults>
</compile_context>

<pallas_src>
import functools

import jax
import jax.numpy as jnp
from jax import lax
from jax.experimental import pallas as pl
from jax.experimental.pallas import tpu as pltpu
from jax.experimental.pallas import tpu_sc as plsc

F32 = jnp.float32
I32 = jnp.int32

NC = 2
NS = 16
L = 16
CH = 400


def _dyn_gather(v, idx):
    return lax.gather(
        v,
        idx[:, None],
        lax.GatherDimensionNumbers(
            offset_dims=(), collapsed_slice_dims=(0,), start_index_map=(0,)
        ),
        slice_sizes=(1,),
        mode=lax.GatherScatterMode.PROMISE_IN_BOUNDS,
    )


def _leaky_exp(e):
    return jnp.exp(jnp.where(e > 0.0, e, e * 0.2))


def kernel(x, edge_index, W0, a0_src, a0_dst, W1, a1_src, a1_dst):
    N, F_IN = x.shape
    E = edge_index.shape[1]
    H0, HID = a0_src.shape
    H1, C = a1_src.shape
    DH = H0 * HID

    NW = NC * NS
    EPW = E // NW
    NCHUNK = EPW // CH
    RPS = -(-N // (NS * 8)) * 8
    NP = RPS * NS

    src = edge_index[0].astype(I32)
    dst = edge_index[1].astype(I32)

    eyeH = jnp.eye(H0, dtype=F32)
    Asrc = (a0_src[:, :, None] * eyeH[:, None, :]).reshape(DH, H0)
    Adst = (a0_dst[:, :, None] * eyeH[:, None, :]).reshape(DH, H0)
    A0 = jnp.concatenate([Asrc, Adst], axis=1)
    B1 = jnp.concatenate(
        [jnp.eye(C, dtype=F32), jnp.zeros((C, 16 - C), dtype=F32)], axis=1)
    W1B = W1 @ B1
    W1S = W1 @ jnp.tile(a1_src.T, (1, 16))
    W1D = W1 @ jnp.tile(a1_dst.T, (1, 16))

    z16 = jnp.zeros((NP, 16), dtype=F32)
    z64 = jnp.zeros((NP, DH), dtype=F32)

    RB = 1000
    GB = N // RB

    def tc1_body(x_ref, w_ref, a_ref, h_ref, c_ref):
        h = jnp.dot(x_ref[...], w_ref[...], preferred_element_type=F32)
        h_ref[...] = h
        c_ref[...] = jnp.dot(h, a_ref[...], preferred_element_type=F32)

    h0, comb0 = pl.pallas_call(
        tc1_body,
        grid=(GB,),
        in_specs=[
            pl.BlockSpec((RB, F_IN), lambda i: (i, 0)),
            pl.BlockSpec((F_IN, DH), lambda i: (0, 0)),
            pl.BlockSpec((DH, 16), lambda i: (0, 0)),
        ],
        out_specs=[
            pl.BlockSpec((RB, DH), lambda i: (i, 0)),
            pl.BlockSpec((RB, 16), lambda i: (i, 0)),
        ],
        out_shape=[
            jax.ShapeDtypeStruct((N, DH), F32),
            jax.ShapeDtypeStruct((N, 16), F32),
        ],
    )(x, W0, A0)

    mesh = plsc.VectorSubcoreMesh(core_axis_name="c", subcore_axis_name="s")
    sc_params = pltpu.CompilerParams(use_tc_tiling_on_sc=False)

    @functools.partial(
        pl.kernel,
        mesh=mesh,
        compiler_params=sc_params,
        out_type=[
            jax.ShapeDtypeStruct((E, 16), F32),
            jax.ShapeDtypeStruct((NP, 16), F32),
            jax.ShapeDtypeStruct((NP, 16), F32),
        ],
        scratch_types=[
            pltpu.VMEM((CH,), I32),
            pltpu.VMEM((CH,), I32),
            pltpu.VMEM((CH, 16), F32),
            pltpu.VMEM((CH, 16), F32),
            pltpu.VMEM((CH, 16), F32),
            pltpu.VMEM_SHARED((NP, 16), F32),
        ],
    )
    def sc_pass_a0(comb_hbm, src_hbm, dst_hbm, z_hbm,
                   eexp_hbm, dp0_hbm, dp1_hbm,
                   sidx, didx, tsrc, tdst, ebuf, sden):
        c = lax.axis_index("c")
        s = lax.axis_index("s")
        pltpu.sync_copy(z_hbm.at[pl.ds(s * RPS, RPS)],
                        sden.at[pl.ds(s * RPS, RPS)])
        plsc.subcore_barrier()
        base = (c * NS + s) * EPW
        lane = lax.broadcasted_iota(I32, (L,), 0)
        shuf = (lane + 8) & 15

        @pl.loop(0, NCHUNK)
        def _(k):
            off = base + k * CH
            pltpu.sync_copy(src_hbm.at[pl.ds(off, CH)], sidx)
            pltpu.sync_copy(dst_hbm.at[pl.ds(off, CH)], didx)
            pltpu.sync_copy(comb_hbm.at[sidx], tsrc)
            pltpu.sync_copy(comb_hbm.at[didx], tdst)

            @pl.loop(0, CH)
            def _(i):
                u = tsrc[i]
                v = _dyn_gather(tdst[i], shuf)
                ebuf[i] = _leaky_exp(u + v)

            pltpu.sync_copy(ebuf, eexp_hbm.at[pl.ds(off, CH)])
            pltpu.sync_copy(ebuf, sden.at[didx], add=True)

        plsc.subcore_barrier()
        rows = pl.ds(s * RPS, RPS)

        @pl.when(c == 0)
        def _():
            pltpu.sync_copy(sden.at[rows], dp0_hbm.at[rows])

        @pl.when(c == 1)
        def _():
            pltpu.sync_copy(sden.at[rows], dp1_hbm.at[rows])

    eexp0, den0a, den0b = sc_pass_a0(comb0, src, dst, z16)

    @functools.partial(
        pl.kernel,
        mesh=mesh,
        compiler_params=sc_params,
        out_type=[
            jax.ShapeDtypeStruct((NP, DH), F32),
            jax.ShapeDtypeStruct((NP, DH), F32),
        ],
        scratch_types=[
            pltpu.VMEM((CH,), I32),
            pltpu.VMEM((CH,), I32),
            pltpu.VMEM((CH, DH), F32),
            pltpu.VMEM((CH, 16), F32),
            pltpu.VMEM((CH, 16), F32),
            pltpu.VMEM((CH, 16), F32),
            pltpu.VMEM((CH, DH), F32),
            pltpu.VMEM_SHARED((NP, DH), F32),
        ],
    )
    def sc_pass_b0(h_hbm, eexp_hbm, da_hbm, db_hbm, src_hbm, dst_hbm, z_hbm,
                   op0_hbm, op1_hbm,
                   sidx, didx, hrow, ebuf, da, db, msg, sout):
        c = lax.axis_index("c")
        s = lax.axis_index("s")
        pltpu.sync_copy(z_hbm.at[pl.ds(s * RPS, RPS)],
                        sout.at[pl.ds(s * RPS, RPS)])
        plsc.subcore_barrier()
        base = (c * NS + s) * EPW
        lane = lax.broadcasted_iota(I32, (L,), 0)
        half = lane >> 3

        @pl.loop(0, NCHUNK)
        def _(k):
            off = base + k * CH
            pltpu.sync_copy(src_hbm.at[pl.ds(off, CH)], sidx)
            pltpu.sync_copy(dst_hbm.at[pl.ds(off, CH)], didx)
            pltpu.sync_copy(h_hbm.at[sidx], hrow)
            pltpu.sync_copy(eexp_hbm.at[pl.ds(off, CH)], ebuf)
            pltpu.sync_copy(da_hbm.at[didx], da)
            pltpu.sync_copy(db_hbm.at[didx], db)

            @pl.loop(0, CH)
            def _(i):
                al = ebuf[i] / (da[i] + db[i])
                for j in range(DH // L):
                    f = _dyn_gather(al, half + 2 * j)
                    msg[i, pl.ds(j * L, L)] = hrow[i, pl.ds(j * L, L)] * f

            pltpu.sync_copy(msg, sout.at[didx], add=True)

        plsc.subcore_barrier()
        rows = pl.ds(s * RPS, RPS)

        @pl.when(c == 0)
        def _():
            pltpu.sync_copy(sout.at[rows], op0_hbm.at[rows])

        @pl.when(c == 1)
        def _():
            pltpu.sync_copy(sout.at[rows], op1_hbm.at[rows])

    out0a, out0b = sc_pass_b0(h0, eexp0, den0a, den0b, src, dst, z64)

    def tc2_body(p0_ref, p1_ref, w_ref, ws_ref, wd_ref, c_ref, s_ref, d_ref):
        o = p0_ref[...] + p1_ref[...]
        o = jnp.where(o > 0.0, o, jnp.exp(o) - 1.0)
        c_ref[...] = jnp.dot(o, w_ref[...], preferred_element_type=F32)
        s_ref[...] = jnp.dot(o, ws_ref[...], preferred_element_type=F32)
        d_ref[...] = jnp.dot(o, wd_ref[...], preferred_element_type=F32)

    comb1, tabs1, tabd1 = pl.pallas_call(
        tc2_body,
        grid=(GB,),
        in_specs=[
            pl.BlockSpec((RB, DH), lambda i: (i, 0)),
            pl.BlockSpec((RB, DH), lambda i: (i, 0)),
            pl.BlockSpec((DH, 16), lambda i: (0, 0)),
            pl.BlockSpec((DH, 16), lambda i: (0, 0)),
            pl.BlockSpec((DH, 16), lambda i: (0, 0)),
        ],
        out_specs=[
            pl.BlockSpec((RB, 16), lambda i: (i, 0)),
            pl.BlockSpec((RB, 16), lambda i: (i, 0)),
            pl.BlockSpec((RB, 16), lambda i: (i, 0)),
        ],
        out_shape=[
            jax.ShapeDtypeStruct((N, 16), F32),
            jax.ShapeDtypeStruct((N, 16), F32),
            jax.ShapeDtypeStruct((N, 16), F32),
        ],
    )(out0a, out0b, W1B, W1S, W1D)

    @functools.partial(
        pl.kernel,
        mesh=mesh,
        compiler_params=sc_params,
        out_type=[
            jax.ShapeDtypeStruct((E, 16), F32),
            jax.ShapeDtypeStruct((NP, 16), F32),
            jax.ShapeDtypeStruct((NP, 16), F32),
        ],
        scratch_types=[
            pltpu.VMEM((CH,), I32),
            pltpu.VMEM((CH,), I32),
            pltpu.VMEM((CH, 16), F32),
            pltpu.VMEM((CH, 16), F32),
            pltpu.VMEM((CH, 16), F32),
            pltpu.VMEM_SHARED((NP, 16), F32),
        ],
    )
    def sc_pass_a1(tabs_hbm, tabd_hbm, src_hbm, dst_hbm, z_hbm,
                   eexp_hbm, dp0_hbm, dp1_hbm,
                   sidx, didx, tsrc, tdst, ebuf, sden):
        c = lax.axis_index("c")
        s = lax.axis_index("s")
        pltpu.sync_copy(z_hbm.at[pl.ds(s * RPS, RPS)],
                        sden.at[pl.ds(s * RPS, RPS)])
        plsc.subcore_barrier()
        base = (c * NS + s) * EPW

        @pl.loop(0, NCHUNK)
        def _(k):
            off = base + k * CH
            pltpu.sync_copy(src_hbm.at[pl.ds(off, CH)], sidx)
            pltpu.sync_copy(dst_hbm.at[pl.ds(off, CH)], didx)
            pltpu.sync_copy(tabs_hbm.at[sidx], tsrc)
            pltpu.sync_copy(tabd_hbm.at[didx], tdst)

            @pl.loop(0, CH)
            def _(i):
                ebuf[i] = _leaky_exp(tsrc[i] + tdst[i])

            pltpu.sync_copy(ebuf, eexp_hbm.at[pl.ds(off, CH)])
            pltpu.sync_copy(ebuf, sden.at[didx], add=True)

        plsc.subcore_barrier()
        rows = pl.ds(s * RPS, RPS)

        @pl.when(c == 0)
        def _():
            pltpu.sync_copy(sden.at[rows], dp0_hbm.at[rows])

        @pl.when(c == 1)
        def _():
            pltpu.sync_copy(sden.at[rows], dp1_hbm.at[rows])

    eexp1, den1a, den1b = sc_pass_a1(tabs1, tabd1, src, dst, z16)

    @functools.partial(
        pl.kernel,
        mesh=mesh,
        compiler_params=sc_params,
        out_type=[
            jax.ShapeDtypeStruct((NP, 16), F32),
            jax.ShapeDtypeStruct((NP, 16), F32),
        ],
        scratch_types=[
            pltpu.VMEM((CH,), I32),
            pltpu.VMEM((CH,), I32),
            pltpu.VMEM((CH, 16), F32),
            pltpu.VMEM((CH, 16), F32),
            pltpu.VMEM((CH, 16), F32),
            pltpu.VMEM((CH, 16), F32),
            pltpu.VMEM((CH, 16), F32),
            pltpu.VMEM_SHARED((NP, 16), F32),
        ],
    )
    def sc_pass_b1(comb_hbm, eexp_hbm, da_hbm, db_hbm, src_hbm, dst_hbm,
                   z_hbm, op0_hbm, op1_hbm,
                   sidx, didx, crow, ebuf, da, db, msg, sout):
        c = lax.axis_index("c")
        s = lax.axis_index("s")
        pltpu.sync_copy(z_hbm.at[pl.ds(s * RPS, RPS)],
                        sout.at[pl.ds(s * RPS, RPS)])
        plsc.subcore_barrier()
        base = (c * NS + s) * EPW

        @pl.loop(0, NCHUNK)
        def _(k):
            off = base + k * CH
            pltpu.sync_copy(src_hbm.at[pl.ds(off, CH)], sidx)
            pltpu.sync_copy(dst_hbm.at[pl.ds(off, CH)], didx)
            pltpu.sync_copy(comb_hbm.at[sidx], crow)
            pltpu.sync_copy(eexp_hbm.at[pl.ds(off, CH)], ebuf)
            pltpu.sync_copy(da_hbm.at[didx], da)
            pltpu.sync_copy(db_hbm.at[didx], db)

            @pl.loop(0, CH)
            def _(i):
                al = ebuf[i] / (da[i] + db[i])
                msg[i] = crow[i] * al

            pltpu.sync_copy(msg, sout.at[didx], add=True)

        plsc.subcore_barrier()
        rows = pl.ds(s * RPS, RPS)

        @pl.when(c == 0)
        def _():
            pltpu.sync_copy(sout.at[rows], op0_hbm.at[rows])

        @pl.when(c == 1)
        def _():
            pltpu.sync_copy(sout.at[rows], op1_hbm.at[rows])

    out1a, out1b = sc_pass_b1(comb1, eexp1, den1a, den1b, src, dst, z16)

    def tc3_body(p0_ref, p1_ref, o_ref):
        q = p0_ref[...] + p1_ref[...]
        t = q[:, :C]
        t = jnp.where(t > 0.0, t, jnp.exp(t) - 1.0)
        m = jnp.max(t, axis=1, keepdims=True)
        z = t - m
        lse = jnp.log(jnp.sum(jnp.exp(z), axis=1, keepdims=True))
        o_ref[...] = z - lse

    out = pl.pallas_call(
        tc3_body,
        grid=(GB,),
        in_specs=[
            pl.BlockSpec((RB, 16), lambda i: (i, 0)),
            pl.BlockSpec((RB, 16), lambda i: (i, 0)),
        ],
        out_specs=pl.BlockSpec((RB, C), lambda i: (i, 0)),
        out_shape=jax.ShapeDtypeStruct((N, C), F32),
    )(out1a, out1b)

    return out

# --- scband reference (transcript-rebuilt; emitter-appended) ---
"""Pipeline reference for scband-gatnet-7516192768314 (READ-ONLY COPY).

The authoritative reference and input builder live on the scoring server;
editing this copy changes nothing except your own understanding.
"""

import jax, jax.numpy as jnp
import numpy as np

N = 10000
E = 320000
F_IN = 128
HID = 8
H0 = 8
H1 = 1
C = 7


def setup_inputs(seed: int = 0) -> dict:
    key = jax.random.key(seed)
    ks = jax.random.split(key, 10)
    x = jax.random.normal(ks[0], (N, F_IN), dtype=jnp.float32)
    edge_index = jax.random.randint(ks[1], (2, E), 0, N)
    W0 = jax.random.normal(ks[2], (F_IN, H0 * HID), dtype=jnp.float32) * (1.0 / np.sqrt(F_IN))
    a0_src = jax.random.normal(ks[3], (H0, HID), dtype=jnp.float32) * 0.1
    a0_dst = jax.random.normal(ks[4], (H0, HID), dtype=jnp.float32) * 0.1
    W1 = jax.random.normal(ks[5], (H0 * HID, H1 * C), dtype=jnp.float32) * (1.0 / np.sqrt(H0 * HID))
    a1_src = jax.random.normal(ks[6], (H1, C), dtype=jnp.float32) * 0.1
    a1_dst = jax.random.normal(ks[7], (H1, C), dtype=jnp.float32) * 0.1
    return {"x": x, "edge_index": edge_index, "W0": W0, "a0_src": a0_src, "a0_dst": a0_dst, "W1": W1, "a1_src": a1_src, "a1_dst": a1_dst}


def gat_layer(x, edge_index, W, a_src, a_dst, heads, out_dim, concat):
    n = x.shape[0]
    h = (x @ W).reshape(n, heads, out_dim)
    src = edge_index[0]
    dst = edge_index[1]
    alpha_src = jnp.sum(h * a_src[None, :, :], axis=-1)  # [N, H]
    alpha_dst = jnp.sum(h * a_dst[None, :, :], axis=-1)  # [N, H]
    e = alpha_src[src] + alpha_dst[dst]  # [E, H]
    e = jax.nn.leaky_relu(e, 0.2)
    # softmax over incoming edges of each dst node
    e_max = jax.ops.segment_max(e, dst, num_segments=n)
    e_max = jnp.where(jnp.isfinite(e_max), e_max, 0.0)
    e_exp = jnp.exp(e - e_max[dst])
    denom = jax.ops.segment_sum(e_exp, dst, num_segments=n)
    alpha = e_exp / (denom[dst] + 1e-16)  # [E, H]
    msg = h[src] * alpha[:, :, None]  # [E, H, D]
    out = jax.ops.segment_sum(msg, dst, num_segments=n)  # [N, H, D]
    if concat:
        out = out.reshape(n, heads * out_dim)
    else:
        out = out.mean(axis=1)
    return out


def reference(x, edge_index, W0, a0_src, a0_dst, W1, a1_src, a1_dst):
    # dropout is a no-op in eval mode (training=False)
    h = gat_layer(x, edge_index, W0, a0_src, a0_dst, H0, HID, True)
    h = jax.nn.elu(h)
    h = gat_layer(h, edge_index, W1, a1_src, a1_dst, H1, C, False)
    h = jax.nn.elu(h)
    return jax.nn.log_softmax(h, axis=1)

if __name__ == "__main__":
    import jax
    _d = setup_inputs()
    print(jax.jit(kernel)(*tuple(_d.values())))

</pallas_src>

<mosaic_0001>
#map = affine_map<(d0, d1) -> (0, 0)>
#map1 = affine_map<(d0, d1) -> (0)>
module attributes {stable_mosaic.version = 14 : i64} {
  func.func @sc_pass_a0(%arg0: i32, %arg1: i32, %arg2: memref<10000x16xf32, #tpu.memory_space<hbm>>, %arg3: memref<320000xi32, #tpu.memory_space<hbm>>, %arg4: memref<320000xi32, #tpu.memory_space<hbm>>, %arg5: memref<10112x16xf32, #tpu.memory_space<hbm>>, %arg6: memref<320000x16xf32, #tpu.memory_space<hbm>>, %arg7: memref<10112x16xf32, #tpu.memory_space<hbm>>, %arg8: memref<10112x16xf32, #tpu.memory_space<hbm>>, %arg9: memref<400xi32, #tpu.memory_space<vmem>>, %arg10: memref<400xi32, #tpu.memory_space<vmem>>, %arg11: memref<400x16xf32, #tpu.memory_space<vmem>>, %arg12: memref<400x16xf32, #tpu.memory_space<vmem>>, %arg13: memref<400x16xf32, #tpu.memory_space<vmem>>, %arg14: memref<10112x16xf32, #tpu.memory_space<vmem_shared>>) attributes {dimension_semantics = [#tpu.dimension_semantics<core_parallel>, #tpu.dimension_semantics<subcore_parallel>], iteration_bounds = array<i64: 2, 16>, scalar_prefetch = 0 : i64, scratch_operands = 6 : i64, tpu.core_type = #tpu.core_type<sc_vector_subcore>, window_params = [{transform_indices = #map}, {transform_indices = #map1}, {transform_indices = #map1}, {transform_indices = #map}, {transform_indices = #map}, {transform_indices = #map}, {transform_indices = #map}]} {
    %mul3A = arith.constant 632 : i32
    %mul3A_0 = arith.muli %arg1, %mul3A : i32
    %mul3A_1 = arith.constant 632 : i32
    %mul3A_2 = arith.muli %arg1, %mul3A_1 : i32
    "tpu.region"() ({
      %run_scoped3A = tpu.sem_alloc : memref<!tpu.dma_semaphore, #tpu.memory_space<semaphore_mem>>
      %dma_start3A = arith.constant 0 : i32
      %dma_start3A_26 = tpu.memref_slice %arg14[%mul3A_2, %dma_start3A] : memref<10112x16xf32, #tpu.memory_space<vmem_shared>> -> memref<632x16xf32, #tpu.memory_space<vmem_shared>>
      %dma_start3A_27 = arith.constant 0 : i32
      %dma_start3A_28 = tpu.memref_slice %arg5[%mul3A_0, %dma_start3A_27] : memref<10112x16xf32, #tpu.memory_space<hbm>> -> memref<632x16xf32, #tpu.memory_space<hbm>>
      tpu.enqueue_dma source(%dma_start3A_28 : memref<632x16xf32, #tpu.memory_space<hbm>>) target(%dma_start3A_26 : memref<632x16xf32, #tpu.memory_space<vmem_shared>>) target_semaphore(%run_scoped3A : memref<!tpu.dma_semaphore, #tpu.memory_space<semaphore_mem>>)
      %dma_wait3A = arith.constant 0 : i32
      %dma_wait3A_29 = tpu.memref_slice %arg14[%mul3A_2, %dma_wait3A] : memref<10112x16xf32, #tpu.memory_space<vmem_shared>> -> memref<632x16xf32, #tpu.memory_space<vmem_shared>>
      %dma_wait3A_30 = arith.constant 0 : i32
      %dma_wait3A_31 = tpu.memref_slice %arg5[%mul3A_0, %dma_wait3A_30] : memref<10112x16xf32, #tpu.memory_space<hbm>> -> memref<632x16xf32, #tpu.memory_space<hbm>>
      tpu.wait_dma2 semaphore(%run_scoped3A : memref<!tpu.dma_semaphore, #tpu.memory_space<semaphore_mem>>) src(%dma_wait3A_31 : memref<632x16xf32, #tpu.memory_space<hbm>>) dst(%dma_wait3A_29 : memref<632x16xf32, #tpu.memory_space<vmem_shared>>)
      tpu.yield
    }) : () -> ()
    %barrier3A = arith.constant 0 : index
    tpu.barrier barrier_id(%barrier3A)
    %mul3A_3 = arith.constant 16 : i32
    %mul3A_4 = arith.muli %arg0, %mul3A_3 : i32
    %add3A = arith.addi %mul3A_4, %arg1 : i32
    %mul3A_5 = arith.constant 10000 : i32
    %mul3A_6 = arith.muli %add3A, %mul3A_5 : i32
    %iota3A = tpu.iota {dimensions = array<i32: 0>} : vector<16xi32>
    %add3A_7 = arith.constant 8 : i32
    %add3A_8 = vector.broadcast %add3A_7 : i32 to vector<16xi32>
    %add3A_9 = arith.addi %iota3A, %add3A_8 : vector<16xi32>
    %and3A = arith.constant 15 : i32
    %and3A_10 = vector.broadcast %and3A : i32 to vector<16xi32>
    %and3A_11 = arith.andi %add3A_9, %and3A_10 : vector<16xi32>
    %scan3A = arith.constant 0 : i32
    %scan3A_12 = arith.constant 25 : i32
    %scan3A_13 = arith.addi %scan3A, %scan3A_12 : i32
    %scan3A_14 = arith.constant 1 : i32
    scf.for %scan3A_26 = %scan3A to %scan3A_13 step %scan3A_14  : i32 {
      %mul3A_27 = arith.constant 1 : i32
      %mul3A_28 = arith.muli %scan3A_26, %mul3A_27 : i32
      %add3A_29 = arith.constant 0 : i32
      %add3A_30 = arith.addi %add3A_29, %mul3A_28 : i32
      %mul3A_31 = arith.constant 400 : i32
      %mul3A_32 = arith.muli %add3A_30, %mul3A_31 : i32
      %add3A_33 = arith.addi %mul3A_6, %mul3A_32 : i32
      "tpu.region"() ({
        %run_scoped3A = tpu.sem_alloc : memref<!tpu.dma_semaphore, #tpu.memory_space<semaphore_mem>>
        %dma_start3A = tpu.memref_slice %arg3[%add3A_33] : memref<320000xi32, #tpu.memory_space<hbm>> -> memref<400xi32, #tpu.memory_space<hbm>>
        %dma_start3A_39 = tpu.memref_slice %arg3[%add3A_33] : memref<320000xi32, #tpu.memory_space<hbm>> -> memref<400xi32, #tpu.memory_space<hbm>>
        tpu.enqueue_dma source(%dma_start3A_39 : memref<400xi32, #tpu.memory_space<hbm>>) target(%arg9 : memref<400xi32, #tpu.memory_space<vmem>>) target_semaphore(%run_scoped3A : memref<!tpu.dma_semaphore, #tpu.memory_space<semaphore_mem>>)
        %dma_wait3A = tpu.memref_slice %arg3[%add3A_33] : memref<320000xi32, #tpu.memory_space<hbm>> -> memref<400xi32, #tpu.memory_space<hbm>>
        %dma_wait3A_40 = tpu.memref_slice %arg3[%add3A_33] : memref<320000xi32, #tpu.memory_space<hbm>> -> memref<400xi32, #tpu.memory_space<hbm>>
        tpu.wait_dma2 semaphore(%run_scoped3A : memref<!tpu.dma_semaphore, #tpu.memory_space<semaphore_mem>>) src(%dma_wait3A_40 : memref<400xi32, #tpu.memory_space<hbm>>) dst(%arg9 : memref<400xi32, #tpu.memory_space<vmem>>)
        tpu.yield
      }) : () -> ()
      "tpu.region"() ({
        %run_scoped3A = tpu.sem_alloc : memref<!tpu.dma_semaphore, #tpu.memory_space<semaphore_mem>>
        %dma_start3A = tpu.memref_slice %arg4[%add3A_33] : memref<320000xi32, #tpu.memory_space<hbm>> -> memref<400xi32, #tpu.memory_space<hbm>>
        %dma_start3A_39 = tpu.memref_slice %arg4[%add3A_33] : memref<320000xi32, #tpu.memory_space<hbm>> -> memref<400xi32, #tpu.memory_space<hbm>>
        tpu.enqueue_dma source(%dma_start3A_39 : memref<400xi32, #tpu.memory_space<hbm>>) target(%arg10 : memref<400xi32, #tpu.memory_space<vmem>>) target_semaphore(%run_scoped3A : memref<!tpu.dma_semaphore, #tpu.memory_space<semaphore_mem>>)
        %dma_wait3A = tpu.memref_slice %arg4[%add3A_33] : memref<320000xi32, #tpu.memory_space<hbm>> -> memref<400xi32, #tpu.memory_space<hbm>>
        %dma_wait3A_40 = tpu.memref_slice %arg4[%add3A_33] : memref<320000xi32, #tpu.memory_space<hbm>> -> memref<400xi32, #tpu.memory_space<hbm>>
        tpu.wait_dma2 semaphore(%run_scoped3A : memref<!tpu.dma_semaphore, #tpu.memory_space<semaphore_mem>>) src(%dma_wait3A_40 : memref<400xi32, #tpu.memory_space<hbm>>) dst(%arg10 : memref<400xi32, #tpu.memory_space<vmem>>)
        tpu.yield
      }) : () -> ()
      "tpu.region"() ({
        %run_scoped3A = tpu.sem_alloc : memref<!tpu.dma_semaphore, #tpu.memory_space<semaphore_mem>>
        %dma_start3A = arith.constant 0 : i32
        %dma_start3A_39 = arith.constant 0 : i32
        %dma_start3A_40 = tpu.memref_slice %arg2[%dma_start3A, %dma_start3A_39] : memref<10000x16xf32, #tpu.memory_space<hbm>> -> memref<10000x16xf32, #tpu.memory_space<hbm>>
        tpu.enqueue_indirect_dma source(%dma_start3A_40 : memref<10000x16xf32, #tpu.memory_space<hbm>>) target(%arg11 : memref<400x16xf32, #tpu.memory_space<vmem>>) offsets(%arg9 : memref<400xi32, #tpu.memory_space<vmem>>) semaphore(%run_scoped3A : memref<!tpu.dma_semaphore, #tpu.memory_space<semaphore_mem>>)
        %dma_wait3A = arith.constant 0 : i32
        %dma_wait3A_41 = arith.constant 0 : i32
        %dma_wait3A_42 = tpu.memref_slice %arg2[%dma_wait3A, %dma_wait3A_41] : memref<10000x16xf32, #tpu.memory_space<hbm>> -> memref<10000x16xf32, #tpu.memory_space<hbm>>
        tpu.wait_indirect_dma semaphore(%run_scoped3A : memref<!tpu.dma_semaphore, #tpu.memory_space<semaphore_mem>>) src(%dma_wait3A_42 : memref<10000x16xf32, #tpu.memory_space<hbm>>) dst(%arg11 : memref<400x16xf32, #tpu.memory_space<vmem>>)
        tpu.yield
      }) : () -> ()
      "tpu.region"() ({
        %run_scoped3A = tpu.sem_alloc : memref<!tpu.dma_semaphore, #tpu.memory_space<semaphore_mem>>
        %dma_start3A = arith.constant 0 : i32
        %dma_start3A_39 = arith.constant 0 : i32
        %dma_start3A_40 = tpu.memref_slice %arg2[%dma_start3A, %dma_start3A_39] : memref<10000x16xf32, #tpu.memory_space<hbm>> -> memref<10000x16xf32, #tpu.memory_space<hbm>>
        tpu.enqueue_indirect_dma source(%dma_start3A_40 : memref<10000x16xf32, #tpu.memory_space<hbm>>) target(%arg12 : memref<400x16xf32, #tpu.memory_space<vmem>>) offsets(%arg10 : memref<400xi32, #tpu.memory_space<vmem>>) semaphore(%run_scoped3A : memref<!tpu.dma_semaphore, #tpu.memory_space<semaphore_mem>>)
        %dma_wait3A = arith.constant 0 : i32
        %dma_wait3A_41 = arith.constant 0 : i32
        %dma_wait3A_42 = tpu.memref_slice %arg2[%dma_wait3A, %dma_wait3A_41] : memref<10000x16xf32, #tpu.memory_space<hbm>> -> memref<10000x16xf32, #tpu.memory_space<hbm>>
        tpu.wait_indirect_dma semaphore(%run_scoped3A : memref<!tpu.dma_semaphore, #tpu.memory_space<semaphore_mem>>) src(%dma_wait3A_42 : memref<10000x16xf32, #tpu.memory_space<hbm>>) dst(%arg12 : memref<400x16xf32, #tpu.memory_space<vmem>>)
        tpu.yield
      }) : () -> ()
      %scan3A_34 = arith.constant 0 : i32
      %scan3A_35 = arith.constant 400 : i32
      %scan3A_36 = arith.addi %scan3A_34, %scan3A_35 : i32
      %scan3A_37 = arith.constant 1 : i32
      scf.for %scan3A_39 = %scan3A_34 to %scan3A_36 step %scan3A_37  : i32 {
        %mul3A_40 = arith.constant 1 : i32
        %mul3A_41 = arith.muli %scan3A_39, %mul3A_40 : i32
        %add3A_42 = arith.constant 0 : i32
        %add3A_43 = arith.addi %add3A_42, %mul3A_41 : i32
        %get3A = arith.index_cast %add3A_43 : i32 to index
        %get3A_44 = arith.constant 0 : index
        %get3A_45 = tpu.vector_load %arg11[%get3A, %get3A_44] {strides = array<i32>} : memref<400x16xf32, #tpu.memory_space<vmem>>, vector<1x16xf32>,
        %get3A_46 = vector.shape_cast %get3A_45 : vector<1x16xf32> to vector<16xf32>
        %get3A_47 = arith.index_cast %add3A_43 : i32 to index
        %get3A_48 = arith.constant 0 : index
        %get3A_49 = tpu.vector_load %arg12[%get3A_47, %get3A_48] {strides = array<i32>} : memref<400x16xf32, #tpu.memory_space<vmem>>, vector<1x16xf32>,
        %get3A_50 = vector.shape_cast %get3A_49 : vector<1x16xf32> to vector<16xf32>
        %broadcast_in_dim3A = vector.shape_cast %and3A_11 : vector<16xi32> to vector<16x1xi32>
        %gather3A = vector.shape_cast %broadcast_in_dim3A : vector<16x1xi32> to vector<16xi32>
        %gather3A_51 = tpu.dynamic_gather %get3A_50[%gather3A] in [0] : vector<16xf32>, vector<16xi32> -> vector<16xf32>
        %add3A_52 = arith.addf %get3A_46, %gather3A_51 : vector<16xf32>
        %gt3A = arith.constant 0.000000e+00 : f32
        %gt3A_53 = vector.broadcast %gt3A : f32 to vector<16xf32>
        %gt3A_54 = arith.cmpf ogt, %add3A_52, %gt3A_53 : vector<16xf32>
        %mul3A_55 = arith.constant 2.000000e-01 : f32
        %mul3A_56 = vector.broadcast %mul3A_55 : f32 to vector<16xf32>
        %mul3A_57 = arith.mulf %add3A_52, %mul3A_56 : vector<16xf32>
        %select_n3A = arith.select %gt3A_54, %add3A_52, %mul3A_57 : vector<16xi1>, vector<16xf32>
        %exp3A = math.exp %select_n3A : vector<16xf32>
        %swap3A = arith.index_cast %add3A_43 : i32 to index
        %swap3A_58 = arith.constant 0 : index
        %swap3A_59 = tpu.vector_load %arg13[%swap3A, %swap3A_58] {strides = array<i32>} : memref<400x16xf32, #tpu.memory_space<vmem>>, vector<1x16xf32>,
        %swap3A_60 = vector.shape_cast %swap3A_59 : vector<1x16xf32> to vector<16xf32>
        %swap3A_61 = vector.shape_cast %exp3A : vector<16xf32> to vector<1x16xf32>
        tpu.vector_store %arg13[%swap3A, %swap3A_58], %swap3A_61 {strides = array<i32>} : memref<400x16xf32, #tpu.memory_space<vmem>>, vector<1x16xf32>,
      }
      %scan3A_38 = arith.constant 400 : i32
      "tpu.region"() ({
        %run_scoped3A = tpu.sem_alloc : memref<!tpu.dma_semaphore, #tpu.memory_space<semaphore_mem>>
        %dma_start3A = arith.constant 0 : i32
        %dma_start3A_39 = tpu.memref_slice %arg6[%add3A_33, %dma_start3A] : memref<320000x16xf32, #tpu.memory_space<hbm>> -> memref<400x16xf32, #tpu.memory_space<hbm>>
        %dma_start3A_40 = arith.constant 0 : i32
        %dma_start3A_41 = tpu.memref_slice %arg6[%add3A_33, %dma_start3A_40] : memref<320000x16xf32, #tpu.memory_space<hbm>> -> memref<400x16xf32, #tpu.memory_space<hbm>>
        tpu.enqueue_dma source(%arg13 : memref<400x16xf32, #tpu.memory_space<vmem>>) target(%dma_start3A_41 : memref<400x16xf32, #tpu.memory_space<hbm>>) target_semaphore(%run_scoped3A : memref<!tpu.dma_semaphore, #tpu.memory_space<semaphore_mem>>)
        %dma_wait3A = arith.constant 0 : i32
        %dma_wait3A_42 = tpu.memref_slice %arg6[%add3A_33, %dma_wait3A] : memref<320000x16xf32, #tpu.memory_space<hbm>> -> memref<400x16xf32, #tpu.memory_space<hbm>>
        %dma_wait3A_43 = arith.constant 0 : i32
        %dma_wait3A_44 = tpu.memref_slice %arg6[%add3A_33, %dma_wait3A_43] : memref<320000x16xf32, #tpu.memory_space<hbm>> -> memref<400x16xf32, #tpu.memory_space<hbm>>
        tpu.wait_dma2 semaphore(%run_scoped3A : memref<!tpu.dma_semaphore, #tpu.memory_space<semaphore_mem>>) src(%arg13 : memref<400x16xf32, #tpu.memory_space<vmem>>) dst(%dma_wait3A_44 : memref<400x16xf32, #tpu.memory_space<hbm>>)
        tpu.yield
      }) : () -> ()
      "tpu.region"() ({
        %run_scoped3A = tpu.sem_alloc : memref<!tpu.dma_semaphore, #tpu.memory_space<semaphore_mem>>
        %dma_start3A = arith.constant 0 : i32
        %dma_start3A_39 = arith.constant 0 : i32
        %dma_start3A_40 = tpu.memref_slice %arg14[%dma_start3A, %dma_start3A_39] : memref<10112x16xf32, #tpu.memory_space<vmem_shared>> -> memref<10112x16xf32, #tpu.memory_space<vmem_shared>>
        tpu.enqueue_indirect_dma source(%arg13 : memref<400x16xf32, #tpu.memory_space<vmem>>) target(%dma_start3A_40 : memref<10112x16xf32, #tpu.memory_space<vmem_shared>>) offsets(%arg10 : memref<400xi32, #tpu.memory_space<vmem>>) semaphore(%run_scoped3A : memref<!tpu.dma_semaphore, #tpu.memory_space<semaphore_mem>>) {add = true}
        %dma_wait3A = arith.constant 0 : i32
        %dma_wait3A_41 = arith.constant 0 : i32
        %dma_wait3A_42 = tpu.memref_slice %arg14[%dma_wait3A, %dma_wait3A_41] : memref<10112x16xf32, #tpu.memory_space<vmem_shared>> -> memref<10112x16xf32, #tpu.memory_space<vmem_shared>>
        tpu.wait_indirect_dma semaphore(%run_scoped3A : memref<!tpu.dma_semaphore, #tpu.memory_space<semaphore_mem>>) src(%arg13 : memref<400x16xf32, #tpu.memory_space<vmem>>) dst(%dma_wait3A_42 : memref<10112x16xf32, #tpu.memory_space<vmem_shared>>)
        tpu.yield
      }) : () -> ()
    }
    %scan3A_15 = arith.constant 25 : i32
    %barrier3A_16 = arith.constant 0 : index
    tpu.barrier barrier_id(%barrier3A_16)
    %mul3A_17 = arith.constant 632 : i32
    %mul3A_18 = arith.muli %arg1, %mul3A_17 : i32
    %eq3A = arith.constant 0 : i32
    %eq3A_19 = arith.cmpi eq, %arg0, %eq3A : i32
    %convert_element_type3A = arith.extui %eq3A_19 : i1 to i32
    %cond3A = arith.constant 0 : i32
    %cond3A_20 = arith.cmpi ne, %convert_element_type3A, %cond3A : i32
    scf.if %cond3A_20 {
      "tpu.region"() ({
        %run_scoped3A = tpu.sem_alloc : memref<!tpu.dma_semaphore, #tpu.memory_space<semaphore_mem>>
        %dma_start3A = arith.constant 0 : i32
        %dma_start3A_26 = tpu.memref_slice %arg7[%mul3A_18, %dma_start3A] : memref<10112x16xf32, #tpu.memory_space<hbm>> -> memref<632x16xf32, #tpu.memory_space<hbm>>
        %dma_start3A_27 = arith.constant 0 : i32
        %dma_start3A_28 = tpu.memref_slice %arg14[%mul3A_18, %dma_start3A_27] : memref<10112x16xf32, #tpu.memory_space<vmem_shared>> -> memref<632x16xf32, #tpu.memory_space<vmem_shared>>
        tpu.enqueue_dma source(%dma_start3A_28 : memref<632x16xf32, #tpu.memory_space<vmem_shared>>) target(%dma_start3A_26 : memref<632x16xf32, #tpu.memory_space<hbm>>) target_semaphore(%run_scoped3A : memref<!tpu.dma_semaphore, #tpu.memory_space<semaphore_mem>>)
        %dma_wait3A = arith.constant 0 : i32
        %dma_wait3A_29 = tpu.memref_slice %arg7[%mul3A_18, %dma_wait3A] : memref<10112x16xf32, #tpu.memory_space<hbm>> -> memref<632x16xf32, #tpu.memory_space<hbm>>
        %dma_wait3A_30 = arith.constant 0 : i32
        %dma_wait3A_31 = tpu.memref_slice %arg14[%mul3A_18, %dma_wait3A_30] : memref<10112x16xf32, #tpu.memory_space<vmem_shared>> -> memref<632x16xf32, #tpu.memory_space<vmem_shared>>
        tpu.wait_dma2 semaphore(%run_scoped3A : memref<!tpu.dma_semaphore, #tpu.memory_space<semaphore_mem>>) src(%dma_wait3A_31 : memref<632x16xf32, #tpu.memory_space<vmem_shared>>) dst(%dma_wait3A_29 : memref<632x16xf32, #tpu.memory_space<hbm>>)
        tpu.yield
      }) : () -> ()
    } else {
    }
    %eq3A_21 = arith.constant 1 : i32
    %eq3A_22 = arith.cmpi eq, %arg0, %eq3A_21 : i32
    %convert_element_type3A_23 = arith.extui %eq3A_22 : i1 to i32
    %cond3A_24 = arith.constant 0 : i32
    %cond3A_25 = arith.cmpi ne, %convert_element_type3A_23, %cond3A_24 : i32
    scf.if %cond3A_25 {
      "tpu.region"() ({
        %run_scoped3A = tpu.sem_alloc : memref<!tpu.dma_semaphore, #tpu.memory_space<semaphore_mem>>
        %dma_start3A = arith.constant 0 : i32
        %dma_start3A_26 = tpu.memref_slice %arg8[%mul3A_18, %dma_start3A] : memref<10112x16xf32, #tpu.memory_space<hbm>> -> memref<632x16xf32, #tpu.memory_space<hbm>>
        %dma_start3A_27 = arith.constant 0 : i32
        %dma_start3A_28 = tpu.memref_slice %arg14[%mul3A_18, %dma_start3A_27] : memref<10112x16xf32, #tpu.memory_space<vmem_shared>> -> memref<632x16xf32, #tpu.memory_space<vmem_shared>>
        tpu.enqueue_dma source(%dma_start3A_28 : memref<632x16xf32, #tpu.memory_space<vmem_shared>>) target(%dma_start3A_26 : memref<632x16xf32, #tpu.memory_space<hbm>>) target_semaphore(%run_scoped3A : memref<!tpu.dma_semaphore, #tpu.memory_space<semaphore_mem>>)
        %dma_wait3A = arith.constant 0 : i32
        %dma_wait3A_29 = tpu.memref_slice %arg8[%mul3A_18, %dma_wait3A] : memref<10112x16xf32, #tpu.memory_space<hbm>> -> memref<632x16xf32, #tpu.memory_space<hbm>>
        %dma_wait3A_30 = arith.constant 0 : i32
        %dma_wait3A_31 = tpu.memref_slice %arg14[%mul3A_18, %dma_wait3A_30] : memref<10112x16xf32, #tpu.memory_space<vmem_shared>> -> memref<632x16xf32, #tpu.memory_space<vmem_shared>>
        tpu.wait_dma2 semaphore(%run_scoped3A : memref<!tpu.dma_semaphore, #tpu.memory_space<semaphore_mem>>) src(%dma_wait3A_31 : memref<632x16xf32, #tpu.memory_space<vmem_shared>>) dst(%dma_wait3A_29 : memref<632x16xf32, #tpu.memory_space<hbm>>)
        tpu.yield
      }) : () -> ()
    } else {
    }
    return
  }
}

#map = affine_map<(d0, d1) -> (0, 0)>
#map1 = affine_map<(d0, d1) -> (0)>
module attributes {stable_mosaic.version = 14 : i64} {
  func.func @sc_pass_a1(%arg0: i32, %arg1: i32, %arg2: memref<10000x16xf32, #tpu.memory_space<hbm>>, %arg3: memref<10000x16xf32, #tpu.memory_space<hbm>>, %arg4: memref<320000xi32, #tpu.memory_space<hbm>>, %arg5: memref<320000xi32, #tpu.memory_space<hbm>>, %arg6: memref<10112x16xf32, #tpu.memory_space<hbm>>, %arg7: memref<320000x16xf32, #tpu.memory_space<hbm>>, %arg8: memref<10112x16xf32, #tpu.memory_space<hbm>>, %arg9: memref<10112x16xf32, #tpu.memory_space<hbm>>, %arg10: memref<400xi32, #tpu.memory_space<vmem>>, %arg11: memref<400xi32, #tpu.memory_space<vmem>>, %arg12: memref<400x16xf32, #tpu.memory_space<vmem>>, %arg13: memref<400x16xf32, #tpu.memory_space<vmem>>, %arg14: memref<400x16xf32, #tpu.memory_space<vmem>>, %arg15: memref<10112x16xf32, #tpu.memory_space<vmem_shared>>) attributes {dimension_semantics = [#tpu.dimension_semantics<core_parallel>, #tpu.dimension_semantics<subcore_parallel>], iteration_bounds = array<i64: 2, 16>, scalar_prefetch = 0 : i64, scratch_operands = 6 : i64, tpu.core_type = #tpu.core_type<sc_vector_subcore>, window_params = [{transform_indices = #map}, {transform_indices = #map}, {transform_indices = #map1}, {transform_indices = #map1}, {transform_indices = #map}, {transform_indices = #map}, {transform_indices = #map}, {transform_indices = #map}]} {
    %mul3A = arith.constant 632 : i32
    %mul3A_0 = arith.muli %arg1, %mul3A : i32
    %mul3A_1 = arith.constant 632 : i32
    %mul3A_2 = arith.muli %arg1, %mul3A_1 : i32
    "tpu.region"() ({
      %run_scoped3A = tpu.sem_alloc : memref<!tpu.dma_semaphore, #tpu.memory_space<semaphore_mem>>
      %dma_start3A = arith.constant 0 : i32
      %dma_start3A_21 = tpu.memref_slice %arg15[%mul3A_2, %dma_start3A] : memref<10112x16xf32, #tpu.memory_space<vmem_shared>> -> memref<632x16xf32, #tpu.memory_space<vmem_shared>>
      %dma_start3A_22 = arith.constant 0 : i32
      %dma_start3A_23 = tpu.memref_slice %arg6[%mul3A_0, %dma_start3A_22] : memref<10112x16xf32, #tpu.memory_space<hbm>> -> memref<632x16xf32, #tpu.memory_space<hbm>>
      tpu.enqueue_dma source(%dma_start3A_23 : memref<632x16xf32, #tpu.memory_space<hbm>>) target(%dma_start3A_21 : memref<632x16xf32, #tpu.memory_space<vmem_shared>>) target_semaphore(%run_scoped3A : memref<!tpu.dma_semaphore, #tpu.memory_space<semaphore_mem>>)
      %dma_wait3A = arith.constant 0 : i32
      %dma_wait3A_24 = tpu.memref_slice %arg15[%mul3A_2, %dma_wait3A] : memref<10112x16xf32, #tpu.memory_space<vmem_shared>> -> memref<632x16xf32, #tpu.memory_space<vmem_shared>>
      %dma_wait3A_25 = arith.constant 0 : i32
      %dma_wait3A_26 = tpu.memref_slice %arg6[%mul3A_0, %dma_wait3A_25] : memref<10112x16xf32, #tpu.memory_space<hbm>> -> memref<632x16xf32, #tpu.memory_space<hbm>>
      tpu.wait_dma2 semaphore(%run_scoped3A : memref<!tpu.dma_semaphore, #tpu.memory_space<semaphore_mem>>) src(%dma_wait3A_26 : memref<632x16xf32, #tpu.memory_space<hbm>>) dst(%dma_wait3A_24 : memref<632x16xf32, #tpu.memory_space<vmem_shared>>)
      tpu.yield
    }) : () -> ()
    %barrier3A = arith.constant 0 : index
    tpu.barrier barrier_id(%barrier3A)
    %mul3A_3 = arith.constant 16 : i32
    %mul3A_4 = arith.muli %arg0, %mul3A_3 : i32
    %add3A = arith.addi %mul3A_4, %arg1 : i32
    %mul3A_5 = arith.constant 10000 : i32
    %mul3A_6 = arith.muli %add3A, %mul3A_5 : i32
    %scan3A = arith.constant 0 : i32
    %scan3A_7 = arith.constant 25 : i32
    %scan3A_8 = arith.addi %scan3A, %scan3A_7 : i32
    %scan3A_9 = arith.constant 1 : i32
    scf.for %scan3A_21 = %scan3A to %scan3A_8 step %scan3A_9  : i32 {
      %mul3A_22 = arith.constant 1 : i32
      %mul3A_23 = arith.muli %scan3A_21, %mul3A_22 : i32
      %add3A_24 = arith.constant 0 : i32
      %add3A_25 = arith.addi %add3A_24, %mul3A_23 : i32
      %mul3A_26 = arith.constant 400 : i32
      %mul3A_27 = arith.muli %add3A_25, %mul3A_26 : i32
      %add3A_28 = arith.addi %mul3A_6, %mul3A_27 : i32
      "tpu.region"() ({
        %run_scoped3A = tpu.sem_alloc : memref<!tpu.dma_semaphore, #tpu.memory_space<semaphore_mem>>
        %dma_start3A = tpu.memref_slice %arg4[%add3A_28] : memref<320000xi32, #tpu.memory_space<hbm>> -> memref<400xi32, #tpu.memory_space<hbm>>
        %dma_start3A_34 = tpu.memref_slice %arg4[%add3A_28] : memref<320000xi32, #tpu.memory_space<hbm>> -> memref<400xi32, #tpu.memory_space<hbm>>
        tpu.enqueue_dma source(%dma_start3A_34 : memref<400xi32, #tpu.memory_space<hbm>>) target(%arg10 : memref<400xi32, #tpu.memory_space<vmem>>) target_semaphore(%run_scoped3A : memref<!tpu.dma_semaphore, #tpu.memory_space<semaphore_mem>>)
        %dma_wait3A = tpu.memref_slice %arg4[%add3A_28] : memref<320000xi32, #tpu.memory_space<hbm>> -> memref<400xi32, #tpu.memory_space<hbm>>
        %dma_wait3A_35 = tpu.memref_slice %arg4[%add3A_28] : memref<320000xi32, #tpu.memory_space<hbm>> -> memref<400xi32, #tpu.memory_space<hbm>>
        tpu.wait_dma2 semaphore(%run_scoped3A : memref<!tpu.dma_semaphore, #tpu.memory_space<semaphore_mem>>) src(%dma_wait3A_35 : memref<400xi32, #tpu.memory_space<hbm>>) dst(%arg10 : memref<400xi32, #tpu.memory_space<vmem>>)
        tpu.yield
      }) : () -> ()
      "tpu.region"() ({
        %run_scoped3A = tpu.sem_alloc : memref<!tpu.dma_semaphore, #tpu.memory_space<semaphore_mem>>
        %dma_start3A = tpu.memref_slice %arg5[%add3A_28] : memref<320000xi32, #tpu.memory_space<hbm>> -> memref<400xi32, #tpu.memory_space<hbm>>
        %dma_start3A_34 = tpu.memref_slice %arg5[%add3A_28] : memref<320000xi32, #tpu.memory_space<hbm>> -> memref<400xi32, #tpu.memory_space<hbm>>
        tpu.enqueue_dma source(%dma_start3A_34 : memref<400xi32, #tpu.memory_space<hbm>>) target(%arg11 : memref<400xi32, #tpu.memory_space<vmem>>) target_semaphore(%run_scoped3A : memref<!tpu.dma_semaphore, #tpu.memory_space<semaphore_mem>>)
        %dma_wait3A = tpu.memref_slice %arg5[%add3A_28] : memref<320000xi32, #tpu.memory_space<hbm>> -> memref<400xi32, #tpu.memory_space<hbm>>
        %dma_wait3A_35 = tpu.memref_slice %arg5[%add3A_28] : memref<320000xi32, #tpu.memory_space<hbm>> -> memref<400xi32, #tpu.memory_space<hbm>>
        tpu.wait_dma2 semaphore(%run_scoped3A : memref<!tpu.dma_semaphore, #tpu.memory_space<semaphore_mem>>) src(%dma_wait3A_35 : memref<400xi32, #tpu.memory_space<hbm>>) dst(%arg11 : memref<400xi32, #tpu.memory_space<vmem>>)
        tpu.yield
      }) : () -> ()
      "tpu.region"() ({
        %run_scoped3A = tpu.sem_alloc : memref<!tpu.dma_semaphore, #tpu.memory_space<semaphore_mem>>
        %dma_start3A = arith.constant 0 : i32
        %dma_start3A_34 = arith.constant 0 : i32
        %dma_start3A_35 = tpu.memref_slice %arg2[%dma_start3A, %dma_start3A_34] : memref<10000x16xf32, #tpu.memory_space<hbm>> -> memref<10000x16xf32, #tpu.memory_space<hbm>>
        tpu.enqueue_indirect_dma source(%dma_start3A_35 : memref<10000x16xf32, #tpu.memory_space<hbm>>) target(%arg12 : memref<400x16xf32, #tpu.memory_space<vmem>>) offsets(%arg10 : memref<400xi32, #tpu.memory_space<vmem>>) semaphore(%run_scoped3A : memref<!tpu.dma_semaphore, #tpu.memory_space<semaphore_mem>>)
        %dma_wait3A = arith.constant 0 : i32
        %dma_wait3A_36 = arith.constant 0 : i32
        %dma_wait3A_37 = tpu.memref_slice %arg2[%dma_wait3A, %dma_wait3A_36] : memref<10000x16xf32, #tpu.memory_space<hbm>> -> memref<10000x16xf32, #tpu.memory_space<hbm>>
        tpu.wait_indirect_dma semaphore(%run_scoped3A : memref<!tpu.dma_semaphore, #tpu.memory_space<semaphore_mem>>) src(%dma_wait3A_37 : memref<10000x16xf32, #tpu.memory_space<hbm>>) dst(%arg12 : memref<400x16xf32, #tpu.memory_space<vmem>>)
        tpu.yield
      }) : () -> ()
      "tpu.region"() ({
        %run_scoped3A = tpu.sem_alloc : memref<!tpu.dma_semaphore, #tpu.memory_space<semaphore_mem>>
        %dma_start3A = arith.constant 0 : i32
        %dma_start3A_34 = arith.constant 0 : i32
        %dma_start3A_35 = tpu.memref_slice %arg3[%dma_start3A, %dma_start3A_34] : memref<10000x16xf32, #tpu.memory_space<hbm>> -> memref<10000x16xf32, #tpu.memory_space<hbm>>
        tpu.enqueue_indirect_dma source(%dma_start3A_35 : memref<10000x16xf32, #tpu.memory_space<hbm>>) target(%arg13 : memref<400x16xf32, #tpu.memory_space<vmem>>) offsets(%arg11 : memref<400xi32, #tpu.memory_space<vmem>>) semaphore(%run_scoped3A : memref<!tpu.dma_semaphore, #tpu.memory_space<semaphore_mem>>)
        %dma_wait3A = arith.constant 0 : i32
        %dma_wait3A_36 = arith.constant 0 : i32
        %dma_wait3A_37 = tpu.memref_slice %arg3[%dma_wait3A, %dma_wait3A_36] : memref<10000x16xf32, #tpu.memory_space<hbm>> -> memref<10000x16xf32, #tpu.memory_space<hbm>>
        tpu.wait_indirect_dma semaphore(%run_scoped3A : memref<!tpu.dma_semaphore, #tpu.memory_space<semaphore_mem>>) src(%dma_wait3A_37 : memref<10000x16xf32, #tpu.memory_space<hbm>>) dst(%arg13 : memref<400x16xf32, #tpu.memory_space<vmem>>)
        tpu.yield
      }) : () -> ()
      %scan3A_29 = arith.constant 0 : i32
      %scan3A_30 = arith.constant 400 : i32
      %scan3A_31 = arith.addi %scan3A_29, %scan3A_30 : i32
      %scan3A_32 = arith.constant 1 : i32
      scf.for %scan3A_34 = %scan3A_29 to %scan3A_31 step %scan3A_32  : i32 {
        %mul3A_35 = arith.constant 1 : i32
        %mul3A_36 = arith.muli %scan3A_34, %mul3A_35 : i32
        %add3A_37 = arith.constant 0 : i32
        %add3A_38 = arith.addi %add3A_37, %mul3A_36 : i32
        %get3A = arith.index_cast %add3A_38 : i32 to index
        %get3A_39 = arith.constant 0 : index
        %get3A_40 = tpu.vector_load %arg12[%get3A, %get3A_39] {strides = array<i32>} : memref<400x16xf32, #tpu.memory_space<vmem>>, vector<1x16xf32>,
        %get3A_41 = vector.shape_cast %get3A_40 : vector<1x16xf32> to vector<16xf32>
        %get3A_42 = arith.index_cast %add3A_38 : i32 to index
        %get3A_43 = arith.constant 0 : index
        %get3A_44 = tpu.vector_load %arg13[%get3A_42, %get3A_43] {strides = array<i32>} : memref<400x16xf32, #tpu.memory_space<vmem>>, vector<1x16xf32>,
        %get3A_45 = vector.shape_cast %get3A_44 : vector<1x16xf32> to vector<16xf32>
        %add3A_46 = arith.addf %get3A_41, %get3A_45 : vector<16xf32>
        %gt3A = arith.constant 0.000000e+00 : f32
        %gt3A_47 = vector.broadcast %gt3A : f32 to vector<16xf32>
        %gt3A_48 = arith.cmpf ogt, %add3A_46, %gt3A_47 : vector<16xf32>
        %mul3A_49 = arith.constant 2.000000e-01 : f32
        %mul3A_50 = vector.broadcast %mul3A_49 : f32 to vector<16xf32>
        %mul3A_51 = arith.mulf %add3A_46, %mul3A_50 : vector<16xf32>
        %select_n3A = arith.select %gt3A_48, %add3A_46, %mul3A_51 : vector<16xi1>, vector<16xf32>
        %exp3A = math.exp %select_n3A : vector<16xf32>
        %swap3A = arith.index_cast %add3A_38 : i32 to index
        %swap3A_52 = arith.constant 0 : index
        %swap3A_53 = tpu.vector_load %arg14[%swap3A, %swap3A_52] {strides = array<i32>} : memref<400x16xf32, #tpu.memory_space<vmem>>, vector<1x16xf32>,
        %swap3A_54 = vector.shape_cast %swap3A_53 : vector<1x16xf32> to vector<16xf32>
        %swap3A_55 = vector.shape_cast %exp3A : vector<16xf32> to vector<1x16xf32>
        tpu.vector_store %arg14[%swap3A, %swap3A_52], %swap3A_55 {strides = array<i32>} : memref<400x16xf32, #tpu.memory_space<vmem>>, vector<1x16xf32>,
      }
      %scan3A_33 = arith.constant 400 : i32
      "tpu.region"() ({
        %run_scoped3A = tpu.sem_alloc : memref<!tpu.dma_semaphore, #tpu.memory_space<semaphore_mem>>
        %dma_start3A = arith.constant 0 : i32
        %dma_start3A_34 = tpu.memref_slice %arg7[%add3A_28, %dma_start3A] : memref<320000x16xf32, #tpu.memory_space<hbm>> -> memref<400x16xf32, #tpu.memory_space<hbm>>
        %dma_start3A_35 = arith.constant 0 : i32
        %dma_start3A_36 = tpu.memref_slice %arg7[%add3A_28, %dma_start3A_35] : memref<320000x16xf32, #tpu.memory_space<hbm>> -> memref<400x16xf32, #tpu.memory_space<hbm>>
        tpu.enqueue_dma source(%arg14 : memref<400x16xf32, #tpu.memory_space<vmem>>) target(%dma_start3A_36 : memref<400x16xf32, #tpu.memory_space<hbm>>) target_semaphore(%run_scoped3A : memref<!tpu.dma_semaphore, #tpu.memory_space<semaphore_mem>>)
        %dma_wait3A = arith.constant 0 : i32
        %dma_wait3A_37 = tpu.memref_slice %arg7[%add3A_28, %dma_wait3A] : memref<320000x16xf32, #tpu.memory_space<hbm>> -> memref<400x16xf32, #tpu.memory_space<hbm>>
        %dma_wait3A_38 = arith.constant 0 : i32
        %dma_wait3A_39 = tpu.memref_slice %arg7[%add3A_28, %dma_wait3A_38] : memref<320000x16xf32, #tpu.memory_space<hbm>> -> memref<400x16xf32, #tpu.memory_space<hbm>>
        tpu.wait_dma2 semaphore(%run_scoped3A : memref<!tpu.dma_semaphore, #tpu.memory_space<semaphore_mem>>) src(%arg14 : memref<400x16xf32, #tpu.memory_space<vmem>>) dst(%dma_wait3A_39 : memref<400x16xf32, #tpu.memory_space<hbm>>)
        tpu.yield
      }) : () -> ()
      "tpu.region"() ({
        %run_scoped3A = tpu.sem_alloc : memref<!tpu.dma_semaphore, #tpu.memory_space<semaphore_mem>>
        %dma_start3A = arith.constant 0 : i32
        %dma_start3A_34 = arith.constant 0 : i32
        %dma_start3A_35 = tpu.memref_slice %arg15[%dma_start3A, %dma_start3A_34] : memref<10112x16xf32, #tpu.memory_space<vmem_shared>> -> memref<10112x16xf32, #tpu.memory_space<vmem_shared>>
        tpu.enqueue_indirect_dma source(%arg14 : memref<400x16xf32, #tpu.memory_space<vmem>>) target(%dma_start3A_35 : memref<10112x16xf32, #tpu.memory_space<vmem_shared>>) offsets(%arg11 : memref<400xi32, #tpu.memory_space<vmem>>) semaphore(%run_scoped3A : memref<!tpu.dma_semaphore, #tpu.memory_space<semaphore_mem>>) {add = true}
        %dma_wait3A = arith.constant 0 : i32
        %dma_wait3A_36 = arith.constant 0 : i32
        %dma_wait3A_37 = tpu.memref_slice %arg15[%dma_wait3A, %dma_wait3A_36] : memref<10112x16xf32, #tpu.memory_space<vmem_shared>> -> memref<10112x16xf32, #tpu.memory_space<vmem_shared>>
        tpu.wait_indirect_dma semaphore(%run_scoped3A : memref<!tpu.dma_semaphore, #tpu.memory_space<semaphore_mem>>) src(%arg14 : memref<400x16xf32, #tpu.memory_space<vmem>>) dst(%dma_wait3A_37 : memref<10112x16xf32, #tpu.memory_space<vmem_shared>>)
        tpu.yield
      }) : () -> ()
    }
    %scan3A_10 = arith.constant 25 : i32
    %barrier3A_11 = arith.constant 0 : index
    tpu.barrier barrier_id(%barrier3A_11)
    %mul3A_12 = arith.constant 632 : i32
    %mul3A_13 = arith.muli %arg1, %mul3A_12 : i32
    %eq3A = arith.constant 0 : i32
    %eq3A_14 = arith.cmpi eq, %arg0, %eq3A : i32
    %convert_element_type3A = arith.extui %eq3A_14 : i1 to i32
    %cond3A = arith.constant 0 : i32
    %cond3A_15 = arith.cmpi ne, %convert_element_type3A, %cond3A : i32
    scf.if %cond3A_15 {
      "tpu.region"() ({
        %run_scoped3A = tpu.sem_alloc : memref<!tpu.dma_semaphore, #tpu.memory_space<semaphore_mem>>
        %dma_start3A = arith.constant 0 : i32
        %dma_start3A_21 = tpu.memref_slice %arg8[%mul3A_13, %dma_start3A] : memref<10112x16xf32, #tpu.memory_space<hbm>> -> memref<632x16xf32, #tpu.memory_space<hbm>>
        %dma_start3A_22 = arith.constant 0 : i32
        %dma_start3A_23 = tpu.memref_slice %arg15[%mul3A_13, %dma_start3A_22] : memref<10112x16xf32, #tpu.memory_space<vmem_shared>> -> memref<632x16xf32, #tpu.memory_space<vmem_shared>>
        tpu.enqueue_dma source(%dma_start3A_23 : memref<632x16xf32, #tpu.memory_space<vmem_shared>>) target(%dma_start3A_21 : memref<632x16xf32, #tpu.memory_space<hbm>>) target_semaphore(%run_scoped3A : memref<!tpu.dma_semaphore, #tpu.memory_space<semaphore_mem>>)
        %dma_wait3A = arith.constant 0 : i32
        %dma_wait3A_24 = tpu.memref_slice %arg8[%mul3A_13, %dma_wait3A] : memref<10112x16xf32, #tpu.memory_space<hbm>> -> memref<632x16xf32, #tpu.memory_space<hbm>>
        %dma_wait3A_25 = arith.constant 0 : i32
        %dma_wait3A_26 = tpu.memref_slice %arg15[%mul3A_13, %dma_wait3A_25] : memref<10112x16xf32, #tpu.memory_space<vmem_shared>> -> memref<632x16xf32, #tpu.memory_space<vmem_shared>>
        tpu.wait_dma2 semaphore(%run_scoped3A : memref<!tpu.dma_semaphore, #tpu.memory_space<semaphore_mem>>) src(%dma_wait3A_26 : memref<632x16xf32, #tpu.memory_space<vmem_shared>>) dst(%dma_wait3A_24 : memref<632x16xf32, #tpu.memory_space<hbm>>)
        tpu.yield
      }) : () -> ()
    } else {
    }
    %eq3A_16 = arith.constant 1 : i32
    %eq3A_17 = arith.cmpi eq, %arg0, %eq3A_16 : i32
    %convert_element_type3A_18 = arith.extui %eq3A_17 : i1 to i32
    %cond3A_19 = arith.constant 0 : i32
    %cond3A_20 = arith.cmpi ne, %convert_element_type3A_18, %cond3A_19 : i32
    scf.if %cond3A_20 {
      "tpu.region"() ({
        %run_scoped3A = tpu.sem_alloc : memref<!tpu.dma_semaphore, #tpu.memory_space<semaphore_mem>>
        %dma_start3A = arith.constant 0 : i32
        %dma_start3A_21 = tpu.memref_slice %arg9[%mul3A_13, %dma_start3A] : memref<10112x16xf32, #tpu.memory_space<hbm>> -> memref<632x16xf32, #tpu.memory_space<hbm>>
        %dma_start3A_22 = arith.constant 0 : i32
        %dma_start3A_23 = tpu.memref_slice %arg15[%mul3A_13, %dma_start3A_22] : memref<10112x16xf32, #tpu.memory_space<vmem_shared>> -> memref<632x16xf32, #tpu.memory_space<vmem_shared>>
        tpu.enqueue_dma source(%dma_start3A_23 : memref<632x16xf32, #tpu.memory_space<vmem_shared>>) target(%dma_start3A_21 : memref<632x16xf32, #tpu.memory_space<hbm>>) target_semaphore(%run_scoped3A : memref<!tpu.dma_semaphore, #tpu.memory_space<semaphore_mem>>)
        %dma_wait3A = arith.constant 0 : i32
        %dma_wait3A_24 = tpu.memref_slice %arg9[%mul3A_13, %dma_wait3A] : memref<10112x16xf32, #tpu.memory_space<hbm>> -> memref<632x16xf32, #tpu.memory_space<hbm>>
        %dma_wait3A_25 = arith.constant 0 : i32
        %dma_wait3A_26 = tpu.memref_slice %arg15[%mul3A_13, %dma_wait3A_25] : memref<10112x16xf32, #tpu.memory_space<vmem_shared>> -> memref<632x16xf32, #tpu.memory_space<vmem_shared>>
        tpu.wait_dma2 semaphore(%run_scoped3A : memref<!tpu.dma_semaphore, #tpu.memory_space<semaphore_mem>>) src(%dma_wait3A_26 : memref<632x16xf32, #tpu.memory_space<vmem_shared>>) dst(%dma_wait3A_24 : memref<632x16xf32, #tpu.memory_space<hbm>>)
        tpu.yield
      }) : () -> ()
    } else {
    }
    return
  }
}

#map = affine_map<(d0, d1) -> (0, 0)>
#map1 = affine_map<(d0, d1) -> (0)>
module attributes {stable_mosaic.version = 14 : i64} {
  func.func @sc_pass_b0(%arg0: i32, %arg1: i32, %arg2: memref<10000x64xf32, #tpu.memory_space<hbm>>, %arg3: memref<320000x16xf32, #tpu.memory_space<hbm>>, %arg4: memref<10112x16xf32, #tpu.memory_space<hbm>>, %arg5: memref<10112x16xf32, #tpu.memory_space<hbm>>, %arg6: memref<320000xi32, #tpu.memory_space<hbm>>, %arg7: memref<320000xi32, #tpu.memory_space<hbm>>, %arg8: memref<10112x64xf32, #tpu.memory_space<hbm>>, %arg9: memref<10112x64xf32, #tpu.memory_space<hbm>>, %arg10: memref<10112x64xf32, #tpu.memory_space<hbm>>, %arg11: memref<400xi32, #tpu.memory_space<vmem>>, %arg12: memref<400xi32, #tpu.memory_space<vmem>>, %arg13: memref<400x64xf32, #tpu.memory_space<vmem>>, %arg14: memref<400x16xf32, #tpu.memory_space<vmem>>, %arg15: memref<400x16xf32, #tpu.memory_space<vmem>>, %arg16: memref<400x16xf32, #tpu.memory_space<vmem>>, %arg17: memref<400x64xf32, #tpu.memory_space<vmem>>, %arg18: memref<10112x64xf32, #tpu.memory_space<vmem_shared>>) attributes {dimension_semantics = [#tpu.dimension_semantics<core_parallel>, #tpu.dimension_semantics<subcore_parallel>], iteration_bounds = array<i64: 2, 16>, scalar_prefetch = 0 : i64, scratch_operands = 8 : i64, tpu.core_type = #tpu.core_type<sc_vector_subcore>, window_params = [{transform_indices = #map}, {transform_indices = #map}, {transform_indices = #map}, {transform_indices = #map}, {transform_indices = #map1}, {transform_indices = #map1}, {transform_indices = #map}, {transform_indices = #map}, {transform_indices = #map}]} {
    %mul3A = arith.constant 632 : i32
    %mul3A_0 = arith.muli %arg1, %mul3A : i32
    %mul3A_1 = arith.constant 632 : i32
    %mul3A_2 = arith.muli %arg1, %mul3A_1 : i32
    "tpu.region"() ({
      %run_scoped3A = tpu.sem_alloc : memref<!tpu.dma_semaphore, #tpu.memory_space<semaphore_mem>>
      %dma_start3A = arith.constant 0 : i32
      %dma_start3A_23 = tpu.memref_slice %arg18[%mul3A_2, %dma_start3A] : memref<10112x64xf32, #tpu.memory_space<vmem_shared>> -> memref<632x64xf32, #tpu.memory_space<vmem_shared>>
      %dma_start3A_24 = arith.constant 0 : i32
      %dma_start3A_25 = tpu.memref_slice %arg8[%mul3A_0, %dma_start3A_24] : memref<10112x64xf32, #tpu.memory_space<hbm>> -> memref<632x64xf32, #tpu.memory_space<hbm>>
      tpu.enqueue_dma source(%dma_start3A_25 : memref<632x64xf32, #tpu.memory_space<hbm>>) target(%dma_start3A_23 : memref<632x64xf32, #tpu.memory_space<vmem_shared>>) target_semaphore(%run_scoped3A : memref<!tpu.dma_semaphore, #tpu.memory_space<semaphore_mem>>)
      %dma_wait3A = arith.constant 0 : i32
      %dma_wait3A_26 = tpu.memref_slice %arg18[%mul3A_2, %dma_wait3A] : memref<10112x64xf32, #tpu.memory_space<vmem_shared>> -> memref<632x64xf32, #tpu.memory_space<vmem_shared>>
      %dma_wait3A_27 = arith.constant 0 : i32
      %dma_wait3A_28 = tpu.memref_slice %arg8[%mul3A_0, %dma_wait3A_27] : memref<10112x64xf32, #tpu.memory_space<hbm>> -> memref<632x64xf32, #tpu.memory_space<hbm>>
      tpu.wait_dma2 semaphore(%run_scoped3A : memref<!tpu.dma_semaphore, #tpu.memory_space<semaphore_mem>>) src(%dma_wait3A_28 : memref<632x64xf32, #tpu.memory_space<hbm>>) dst(%dma_wait3A_26 : memref<632x64xf32, #tpu.memory_space<vmem_shared>>)
      tpu.yield
    }) : () -> ()
    %barrier3A = arith.constant 0 : index
    tpu.barrier barrier_id(%barrier3A)
    %mul3A_3 = arith.constant 16 : i32
    %mul3A_4 = arith.muli %arg0, %mul3A_3 : i32
    %add3A = arith.addi %mul3A_4, %arg1 : i32
    %mul3A_5 = arith.constant 10000 : i32
    %mul3A_6 = arith.muli %add3A, %mul3A_5 : i32
    %iota3A = tpu.iota {dimensions = array<i32: 0>} : vector<16xi32>
    %shift_right_arithmetic3A = arith.constant 3 : i32
    %shift_right_arithmetic3A_7 = vector.broadcast %shift_right_arithmetic3A : i32 to vector<16xi32>
    %shift_right_arithmetic3A_8 = arith.shrsi %iota3A, %shift_right_arithmetic3A_7 : vector<16xi32>
    %scan3A = arith.constant 0 : i32
    %scan3A_9 = arith.constant 25 : i32
    %scan3A_10 = arith.addi %scan3A, %scan3A_9 : i32
    %scan3A_11 = arith.constant 1 : i32
    scf.for %scan3A_23 = %scan3A to %scan3A_10 step %scan3A_11  : i32 {
      %mul3A_24 = arith.constant 1 : i32
      %mul3A_25 = arith.muli %scan3A_23, %mul3A_24 : i32
      %add3A_26 = arith.constant 0 : i32
      %add3A_27 = arith.addi %add3A_26, %mul3A_25 : i32
      %mul3A_28 = arith.constant 400 : i32
      %mul3A_29 = arith.muli %add3A_27, %mul3A_28 : i32
      %add3A_30 = arith.addi %mul3A_6, %mul3A_29 : i32
      "tpu.region"() ({
        %run_scoped3A = tpu.sem_alloc : memref<!tpu.dma_semaphore, #tpu.memory_space<semaphore_mem>>
        %dma_start3A = tpu.memref_slice %arg6[%add3A_30] : memref<320000xi32, #tpu.memory_space<hbm>> -> memref<400xi32, #tpu.memory_space<hbm>>
        %dma_start3A_36 = tpu.memref_slice %arg6[%add3A_30] : memref<320000xi32, #tpu.memory_space<hbm>> -> memref<400xi32, #tpu.memory_space<hbm>>
        tpu.enqueue_dma source(%dma_start3A_36 : memref<400xi32, #tpu.memory_space<hbm>>) target(%arg11 : memref<400xi32, #tpu.memory_space<vmem>>) target_semaphore(%run_scoped3A : memref<!tpu.dma_semaphore, #tpu.memory_space<semaphore_mem>>)
        %dma_wait3A = tpu.memref_slice %arg6[%add3A_30] : memref<320000xi32, #tpu.memory_space<hbm>> -> memref<400xi32, #tpu.memory_space<hbm>>
        %dma_wait3A_37 = tpu.memref_slice %arg6[%add3A_30] : memref<320000xi32, #tpu.memory_space<hbm>> -> memref<400xi32, #tpu.memory_space<hbm>>
        tpu.wait_dma2 semaphore(%run_scoped3A : memref<!tpu.dma_semaphore, #tpu.memory_space<semaphore_mem>>) src(%dma_wait3A_37 : memref<400xi32, #tpu.memory_space<hbm>>) dst(%arg11 : memref<400xi32, #tpu.memory_space<vmem>>)
        tpu.yield
      }) : () -> ()
      "tpu.region"() ({
        %run_scoped3A = tpu.sem_alloc : memref<!tpu.dma_semaphore, #tpu.memory_space<semaphore_mem>>
        %dma_start3A = tpu.memref_slice %arg7[%add3A_30] : memref<320000xi32, #tpu.memory_space<hbm>> -> memref<400xi32, #tpu.memory_space<hbm>>
        %dma_start3A_36 = tpu.memref_slice %arg7[%add3A_30] : memref<320000xi32, #tpu.memory_space<hbm>> -> memref<400xi32, #tpu.memory_space<hbm>>
        tpu.enqueue_dma source(%dma_start3A_36 : memref<400xi32, #tpu.memory_space<hbm>>) target(%arg12 : memref<400xi32, #tpu.memory_space<vmem>>) target_semaphore(%run_scoped3A : memref<!tpu.dma_semaphore, #tpu.memory_space<semaphore_mem>>)
        %dma_wait3A = tpu.memref_slice %arg7[%add3A_30] : memref<320000xi32, #tpu.memory_space<hbm>> -> memref<400xi32, #tpu.memory_space<hbm>>
        %dma_wait3A_37 = tpu.memref_slice %arg7[%add3A_30] : memref<320000xi32, #tpu.memory_space<hbm>> -> memref<400xi32, #tpu.memory_space<hbm>>
        tpu.wait_dma2 semaphore(%run_scoped3A : memref<!tpu.dma_semaphore, #tpu.memory_space<semaphore_mem>>) src(%dma_wait3A_37 : memref<400xi32, #tpu.memory_space<hbm>>) dst(%arg12 : memref<400xi32, #tpu.memory_space<vmem>>)
        tpu.yield
      }) : () -> ()
      "tpu.region"() ({
        %run_scoped3A = tpu.sem_alloc : memref<!tpu.dma_semaphore, #tpu.memory_space<semaphore_mem>>
        %dma_start3A = arith.constant 0 : i32
        %dma_start3A_36 = arith.constant 0 : i32
        %dma_start3A_37 = tpu.memref_slice %arg2[%dma_start3A, %dma_start3A_36] : memref<10000x64xf32, #tpu.memory_space<hbm>> -> memref<10000x64xf32, #tpu.memory_space<hbm>>
        tpu.enqueue_indirect_dma source(%dma_start3A_37 : memref<10000x64xf32, #tpu.memory_space<hbm>>) target(%arg13 : memref<400x64xf32, #tpu.memory_space<vmem>>) offsets(%arg11 : memref<400xi32, #tpu.memory_space<vmem>>) semaphore(%run_scoped3A : memref<!tpu.dma_semaphore, #tpu.memory_space<semaphore_mem>>)
        %dma_wait3A = arith.constant 0 : i32
        %dma_wait3A_38 = arith.constant 0 : i32
        %dma_wait3A_39 = tpu.memref_slice %arg2[%dma_wait3A, %dma_wait3A_38] : memref<10000x64xf32, #tpu.memory_space<hbm>> -> memref<10000x64xf32, #tpu.memory_space<hbm>>
        tpu.wait_indirect_dma semaphore(%run_scoped3A : memref<!tpu.dma_semaphore, #tpu.memory_space<semaphore_mem>>) src(%dma_wait3A_39 : memref<10000x64xf32, #tpu.memory_space<hbm>>) dst(%arg13 : memref<400x64xf32, #tpu.memory_space<vmem>>)
        tpu.yield
      }) : () -> ()
      "tpu.region"() ({
        %run_scoped3A = tpu.sem_alloc : memref<!tpu.dma_semaphore, #tpu.memory_space<semaphore_mem>>
        %dma_start3A = arith.constant 0 : i32
        %dma_start3A_36 = tpu.memref_slice %arg3[%add3A_30, %dma_start3A] : memref<320000x16xf32, #tpu.memory_space<hbm>> -> memref<400x16xf32, #tpu.memory_space<hbm>>
        %dma_start3A_37 = arith.constant 0 : i32
        %dma_start3A_38 = tpu.memref_slice %arg3[%add3A_30, %dma_start3A_37] : memref<320000x16xf32, #tpu.memory_space<hbm>> -> memref<400x16xf32, #tpu.memory_space<hbm>>
        tpu.enqueue_dma source(%dma_start3A_38 : memref<400x16xf32, #tpu.memory_space<hbm>>) target(%arg14 : memref<400x16xf32, #tpu.memory_space<vmem>>) target_semaphore(%run_scoped3A : memref<!tpu.dma_semaphore, #tpu.memory_space<semaphore_mem>>)
        %dma_wait3A = arith.constant 0 : i32
        %dma_wait3A_39 = tpu.memref_slice %arg3[%add3A_30, %dma_wait3A] : memref<320000x16xf32, #tpu.memory_space<hbm>> -> memref<400x16xf32, #tpu.memory_space<hbm>>
        %dma_wait3A_40 = arith.constant 0 : i32
        %dma_wait3A_41 = tpu.memref_slice %arg3[%add3A_30, %dma_wait3A_40] : memref<320000x16xf32, #tpu.memory_space<hbm>> -> memref<400x16xf32, #tpu.memory_space<hbm>>
        tpu.wait_dma2 semaphore(%run_scoped3A : memref<!tpu.dma_semaphore, #tpu.memory_space<semaphore_mem>>) src(%dma_wait3A_41 : memref<400x16xf32, #tpu.memory_space<hbm>>) dst(%arg14 : memref<400x16xf32, #tpu.memory_space<vmem>>)
        tpu.yield
      }) : () -> ()
      "tpu.region"() ({
        %run_scoped3A = tpu.sem_alloc : memref<!tpu.dma_semaphore, #tpu.memory_space<semaphore_mem>>
        %dma_start3A = arith.constant 0 : i32
        %dma_start3A_36 = arith.constant 0 : i32
        %dma_start3A_37 = tpu.memref_slice %arg4[%dma_start3A, %dma_start3A_36] : memref<10112x16xf32, #tpu.memory_space<hbm>> -> memref<10112x16xf32, #tpu.memory_space<hbm>>
        tpu.enqueue_indirect_dma source(%dma_start3A_37 : memref<10112x16xf32, #tpu.memory_space<hbm>>) target(%arg15 : memref<400x16xf32, #tpu.memory_space<vmem>>) offsets(%arg12 : memref<400xi32, #tpu.memory_space<vmem>>) semaphore(%run_scoped3A : memref<!tpu.dma_semaphore, #tpu.memory_space<semaphore_mem>>)
        %dma_wait3A = arith.constant 0 : i32
        %dma_wait3A_38 = arith.constant 0 : i32
        %dma_wait3A_39 = tpu.memref_slice %arg4[%dma_wait3A, %dma_wait3A_38] : memref<10112x16xf32, #tpu.memory_space<hbm>> -> memref<10112x16xf32, #tpu.memory_space<hbm>>
        tpu.wait_indirect_dma semaphore(%run_scoped3A : memref<!tpu.dma_semaphore, #tpu.memory_space<semaphore_mem>>) src(%dma_wait3A_39 : memref<10112x16xf32, #tpu.memory_space<hbm>>) dst(%arg15 : memref<400x16xf32, #tpu.memory_space<vmem>>)
        tpu.yield
      }) : () -> ()
      "tpu.region"() ({
        %run_scoped3A = tpu.sem_alloc : memref<!tpu.dma_semaphore, #tpu.memory_space<semaphore_mem>>
        %dma_start3A = arith.constant 0 : i32
        %dma_start3A_36 = arith.constant 0 : i32
        %dma_start3A_37 = tpu.memref_slice %arg5[%dma_start3A, %dma_start3A_36] : memref<10112x16xf32, #tpu.memory_space<hbm>> -> memref<10112x16xf32, #tpu.memory_space<hbm>>
        tpu.enqueue_indirect_dma source(%dma_start3A_37 : memref<10112x16xf32, #tpu.memory_space<hbm>>) target(%arg16 : memref<400x16xf32, #tpu.memory_space<vmem>>) offsets(%arg12 : memref<400xi32, #tpu.memory_space<vmem>>) semaphore(%run_scoped3A : memref<!tpu.dma_semaphore, #tpu.memory_space<semaphore_mem>>)
        %dma_wait3A = arith.constant 0 : i32
        %dma_wait3A_38 = arith.constant 0 : i32
        %dma_wait3A_39 = tpu.memref_slice %arg5[%dma_wait3A, %dma_wait3A_38] : memref<10112x16xf32, #tpu.memory_space<hbm>> -> memref<10112x16xf32, #tpu.memory_space<hbm>>
        tpu.wait_indirect_dma semaphore(%run_scoped3A : memref<!tpu.dma_semaphore, #tpu.memory_space<semaphore_mem>>) src(%dma_wait3A_39 : memref<10112x16xf32, #tpu.memory_space<hbm>>) dst(%arg16 : memref<400x16xf32, #tpu.memory_space<vmem>>)
        tpu.yield
      }) : () -> ()
      %scan3A_31 = arith.constant 0 : i32
      %scan3A_32 = arith.constant 400 : i32
      %scan3A_33 = arith.addi %scan3A_31, %scan3A_32 : i32
      %scan3A_34 = arith.constant 1 : i32
      scf.for %scan3A_36 = %scan3A_31 to %scan3A_33 step %scan3A_34  : i32 {
        %mul3A_37 = arith.constant 1 : i32
        %mul3A_38 = arith.muli %scan3A_36, %mul3A_37 : i32
        %add3A_39 = arith.constant 0 : i32
        %add3A_40 = arith.addi %add3A_39, %mul3A_38 : i32
        %get3A = arith.index_cast %add3A_40 : i32 to index
        %get3A_41 = arith.constant 0 : index
        %get3A_42 = tpu.vector_load %arg14[%get3A, %get3A_41] {strides = array<i32>} : memref<400x16xf32, #tpu.memory_space<vmem>>, vector<1x16xf32>,
        %get3A_43 = vector.shape_cast %get3A_42 : vector<1x16xf32> to vector<16xf32>
        %get3A_44 = arith.index_cast %add3A_40 : i32 to index
        %get3A_45 = arith.constant 0 : index
        %get3A_46 = tpu.vector_load %arg15[%get3A_44, %get3A_45] {strides = array<i32>} : memref<400x16xf32, #tpu.memory_space<vmem>>, vector<1x16xf32>,
        %get3A_47 = vector.shape_cast %get3A_46 : vector<1x16xf32> to vector<16xf32>
        %get3A_48 = arith.index_cast %add3A_40 : i32 to index
        %get3A_49 = arith.constant 0 : index
        %get3A_50 = tpu.vector_load %arg16[%get3A_48, %get3A_49] {strides = array<i32>} : memref<400x16xf32, #tpu.memory_space<vmem>>, vector<1x16xf32>,
        %get3A_51 = vector.shape_cast %get3A_50 : vector<1x16xf32> to vector<16xf32>
        %add3A_52 = arith.addf %get3A_47, %get3A_51 : vector<16xf32>
        %div3A = arith.divf %get3A_43, %add3A_52 : vector<16xf32>
        %add3A_53 = arith.constant 0 : i32
        %add3A_54 = vector.broadcast %add3A_53 : i32 to vector<16xi32>
        %add3A_55 = arith.addi %shift_right_arithmetic3A_8, %add3A_54 : vector<16xi32>
        %broadcast_in_dim3A = vector.shape_cast %add3A_55 : vector<16xi32> to vector<16x1xi32>
        %gather3A = vector.shape_cast %broadcast_in_dim3A : vector<16x1xi32> to vector<16xi32>
        %gather3A_56 = tpu.dynamic_gather %div3A[%gather3A] in [0] : vector<16xf32>, vector<16xi32> -> vector<16xf32>
        %get3A_57 = arith.index_cast %add3A_40 : i32 to index
        %get3A_58 = arith.constant 0 : index
        %get3A_59 = tpu.vector_load %arg13[%get3A_57, %get3A_58] {strides = array<i32>} : memref<400x64xf32, #tpu.memory_space<vmem>>, vector<1x16xf32>,
        %get3A_60 = vector.shape_cast %get3A_59 : vector<1x16xf32> to vector<16xf32>
        %mul3A_61 = arith.mulf %get3A_60, %gather3A_56 : vector<16xf32>
        %swap3A = arith.index_cast %add3A_40 : i32 to index
        %swap3A_62 = arith.constant 0 : index
        %swap3A_63 = tpu.vector_load %arg17[%swap3A, %swap3A_62] {strides = array<i32>} : memref<400x64xf32, #tpu.memory_space<vmem>>, vector<1x16xf32>,
        %swap3A_64 = vector.shape_cast %swap3A_63 : vector<1x16xf32> to vector<16xf32>
        %swap3A_65 = vector.shape_cast %mul3A_61 : vector<16xf32> to vector<1x16xf32>
        tpu.vector_store %arg17[%swap3A, %swap3A_62], %swap3A_65 {strides = array<i32>} : memref<400x64xf32, #tpu.memory_space<vmem>>, vector<1x16xf32>,
        %add3A_66 = arith.constant 2 : i32
        %add3A_67 = vector.broadcast %add3A_66 : i32 to vector<16xi32>
        %add3A_68 = arith.addi %shift_right_arithmetic3A_8, %add3A_67 : vector<16xi32>
        %broadcast_in_dim3A_69 = vector.shape_cast %add3A_68 : vector<16xi32> to vector<16x1xi32>
        %gather3A_70 = vector.shape_cast %broadcast_in_dim3A_69 : vector<16x1xi32> to vector<16xi32>
        %gather3A_71 = tpu.dynamic_gather %div3A[%gather3A_70] in [0] : vector<16xf32>, vector<16xi32> -> vector<16xf32>
        %get3A_72 = arith.index_cast %add3A_40 : i32 to index
        %get3A_73 = arith.constant 16 : index
        %get3A_74 = tpu.vector_load %arg13[%get3A_72, %get3A_73] {strides = array<i32>} : memref<400x64xf32, #tpu.memory_space<vmem>>, vector<1x16xf32>,
        %get3A_75 = vector.shape_cast %get3A_74 : vector<1x16xf32> to vector<16xf32>
        %mul3A_76 = arith.mulf %get3A_75, %gather3A_71 : vector<16xf32>
        %swap3A_77 = arith.index_cast %add3A_40 : i32 to index
        %swap3A_78 = arith.constant 16 : index
        %swap3A_79 = tpu.vector_load %arg17[%swap3A_77, %swap3A_78] {strides = array<i32>} : memref<400x64xf32, #tpu.memory_space<vmem>>, vector<1x16xf32>,
        %swap3A_80 = vector.shape_cast %swap3A_79 : vector<1x16xf32> to vector<16xf32>
        %swap3A_81 = vector.shape_cast %mul3A_76 : vector<16xf32> to vector<1x16xf32>
        tpu.vector_store %arg17[%swap3A_77, %swap3A_78], %swap3A_81 {strides = array<i32>} : memref<400x64xf32, #tpu.memory_space<vmem>>, vector<1x16xf32>,
        %add3A_82 = arith.constant 4 : i32
        %add3A_83 = vector.broadcast %add3A_82 : i32 to vector<16xi32>
        %add3A_84 = arith.addi %shift_right_arithmetic3A_8, %add3A_83 : vector<16xi32>
        %broadcast_in_dim3A_85 = vector.shape_cast %add3A_84 : vector<16xi32> to vector<16x1xi32>
        %gather3A_86 = vector.shape_cast %broadcast_in_dim3A_85 : vector<16x1xi32> to vector<16xi32>
        %gather3A_87 = tpu.dynamic_gather %div3A[%gather3A_86] in [0] : vector<16xf32>, vector<16xi32> -> vector<16xf32>
        %get3A_88 = arith.index_cast %add3A_40 : i32 to index
        %get3A_89 = arith.constant 32 : index
        %get3A_90 = tpu.vector_load %arg13[%get3A_88, %get3A_89] {strides = array<i32>} : memref<400x64xf32, #tpu.memory_space<vmem>>, vector<1x16xf32>,
        %get3A_91 = vector.shape_cast %get3A_90 : vector<1x16xf32> to vector<16xf32>
        %mul3A_92 = arith.mulf %get3A_91, %gather3A_87 : vector<16xf32>
        %swap3A_93 = arith.index_cast %add3A_40 : i32 to index
        %swap3A_94 = arith.constant 32 : index
        %swap3A_95 = tpu.vector_load %arg17[%swap3A_93, %swap3A_94] {strides = array<i32>} : memref<400x64xf32, #tpu.memory_space<vmem>>, vector<1x16xf32>,
        %swap3A_96 = vector.shape_cast %swap3A_95 : vector<1x16xf32> to vector<16xf32>
        %swap3A_97 = vector.shape_cast %mul3A_92 : vector<16xf32> to vector<1x16xf32>
        tpu.vector_store %arg17[%swap3A_93, %swap3A_94], %swap3A_97 {strides = array<i32>} : memref<400x64xf32, #tpu.memory_space<vmem>>, vector<1x16xf32>,
        %add3A_98 = arith.constant 6 : i32
        %add3A_99 = vector.broadcast %add3A_98 : i32 to vector<16xi32>
        %add3A_100 = arith.addi %shift_right_arithmetic3A_8, %add3A_99 : vector<16xi32>
        %broadcast_in_dim3A_101 = vector.shape_cast %add3A_100 : vector<16xi32> to vector<16x1xi32>
        %gather3A_102 = vector.shape_cast %broadcast_in_dim3A_101 : vector<16x1xi32> to vector<16xi32>
        %gather3A_103 = tpu.dynamic_gather %div3A[%gather3A_102] in [0] : vector<16xf32>, vector<16xi32> -> vector<16xf32>
        %get3A_104 = arith.index_cast %add3A_40 : i32 to index
        %get3A_105 = arith.constant 48 : index
        %get3A_106 = tpu.vector_load %arg13[%get3A_104, %get3A_105] {strides = array<i32>} : memref<400x64xf32, #tpu.memory_space<vmem>>, vector<1x16xf32>,
        %get3A_107 = vector.shape_cast %get3A_106 : vector<1x16xf32> to vector<16xf32>
        %mul3A_108 = arith.mulf %get3A_107, %gather3A_103 : vector<16xf32>
        %swap3A_109 = arith.index_cast %add3A_40 : i32 to index
        %swap3A_110 = arith.constant 48 : index
        %swap3A_111 = tpu.vector_load %arg17[%swap3A_109, %swap3A_110] {strides = array<i32>} : memref<400x64xf32, #tpu.memory_space<vmem>>, vector<1x16xf32>,
        %swap3A_112 = vector.shape_cast %swap3A_111 : vector<1x16xf32> to vector<16xf32>
        %swap3A_113 = vector.shape_cast %mul3A_108 : vector<16xf32> to vector<1x16xf32>
        tpu.vector_store %arg17[%swap3A_109, %swap3A_110], %swap3A_113 {strides = array<i32>} : memref<400x64xf32, #tpu.memory_space<vmem>>, vector<1x16xf32>,
      }
      %scan3A_35 = arith.constant 400 : i32
      "tpu.region"() ({
        %run_scoped3A = tpu.sem_alloc : memref<!tpu.dma_semaphore, #tpu.memory_space<semaphore_mem>>
        %dma_start3A = arith.constant 0 : i32
        %dma_start3A_36 = arith.constant 0 : i32
        %dma_start3A_37 = tpu.memref_slice %arg18[%dma_start3A, %dma_start3A_36] : memref<10112x64xf32, #tpu.memory_space<vmem_shared>> -> memref<10112x64xf32, #tpu.memory_space<vmem_shared>>
        tpu.enqueue_indirect_dma source(%arg17 : memref<400x64xf32, #tpu.memory_space<vmem>>) target(%dma_start3A_37 : memref<10112x64xf32, #tpu.memory_space<vmem_shared>>) offsets(%arg12 : memref<400xi32, #tpu.memory_space<vmem>>) semaphore(%run_scoped3A : memref<!tpu.dma_semaphore, #tpu.memory_space<semaphore_mem>>) {add = true}
        %dma_wait3A = arith.constant 0 : i32
        %dma_wait3A_38 = arith.constant 0 : i32
        %dma_wait3A_39 = tpu.memref_slice %arg18[%dma_wait3A, %dma_wait3A_38] : memref<10112x64xf32, #tpu.memory_space<vmem_shared>> -> memref<10112x64xf32, #tpu.memory_space<vmem_shared>>
        tpu.wait_indirect_dma semaphore(%run_scoped3A : memref<!tpu.dma_semaphore, #tpu.memory_space<semaphore_mem>>) src(%arg17 : memref<400x64xf32, #tpu.memory_space<vmem>>) dst(%dma_wait3A_39 : memref<10112x64xf32, #tpu.memory_space<vmem_shared>>)
        tpu.yield
      }) : () -> ()
    }
    %scan3A_12 = arith.constant 25 : i32
    %barrier3A_13 = arith.constant 0 : index
    tpu.barrier barrier_id(%barrier3A_13)
    %mul3A_14 = arith.constant 632 : i32
    %mul3A_15 = arith.muli %arg1, %mul3A_14 : i32
    %eq3A = arith.constant 0 : i32
    %eq3A_16 = arith.cmpi eq, %arg0, %eq3A : i32
    %convert_element_type3A = arith.extui %eq3A_16 : i1 to i32
    %cond3A = arith.constant 0 : i32
    %cond3A_17 = arith.cmpi ne, %convert_element_type3A, %cond3A : i32
    scf.if %cond3A_17 {
      "tpu.region"() ({
        %run_scoped3A = tpu.sem_alloc : memref<!tpu.dma_semaphore, #tpu.memory_space<semaphore_mem>>
        %dma_start3A = arith.constant 0 : i32
        %dma_start3A_23 = tpu.memref_slice %arg9[%mul3A_15, %dma_start3A] : memref<10112x64xf32, #tpu.memory_space<hbm>> -> memref<632x64xf32, #tpu.memory_space<hbm>>
        %dma_start3A_24 = arith.constant 0 : i32
        %dma_start3A_25 = tpu.memref_slice %arg18[%mul3A_15, %dma_start3A_24] : memref<10112x64xf32, #tpu.memory_space<vmem_shared>> -> memref<632x64xf32, #tpu.memory_space<vmem_shared>>
        tpu.enqueue_dma source(%dma_start3A_25 : memref<632x64xf32, #tpu.memory_space<vmem_shared>>) target(%dma_start3A_23 : memref<632x64xf32, #tpu.memory_space<hbm>>) target_semaphore(%run_scoped3A : memref<!tpu.dma_semaphore, #tpu.memory_space<semaphore_mem>>)
        %dma_wait3A = arith.constant 0 : i32
        %dma_wait3A_26 = tpu.memref_slice %arg9[%mul3A_15, %dma_wait3A] : memref<10112x64xf32, #tpu.memory_space<hbm>> -> memref<632x64xf32, #tpu.memory_space<hbm>>
        %dma_wait3A_27 = arith.constant 0 : i32
        %dma_wait3A_28 = tpu.memref_slice %arg18[%mul3A_15, %dma_wait3A_27] : memref<10112x64xf32, #tpu.memory_space<vmem_shared>> -> memref<632x64xf32, #tpu.memory_space<vmem_shared>>
        tpu.wait_dma2 semaphore(%run_scoped3A : memref<!tpu.dma_semaphore, #tpu.memory_space<semaphore_mem>>) src(%dma_wait3A_28 : memref<632x64xf32, #tpu.memory_space<vmem_shared>>) dst(%dma_wait3A_26 : memref<632x64xf32, #tpu.memory_space<hbm>>)
        tpu.yield
      }) : () -> ()
    } else {
    }
    %eq3A_18 = arith.constant 1 : i32
    %eq3A_19 = arith.cmpi eq, %arg0, %eq3A_18 : i32
    %convert_element_type3A_20 = arith.extui %eq3A_19 : i1 to i32
    %cond3A_21 = arith.constant 0 : i32
    %cond3A_22 = arith.cmpi ne, %convert_element_type3A_20, %cond3A_21 : i32
    scf.if %cond3A_22 {
      "tpu.region"() ({
        %run_scoped3A = tpu.sem_alloc : memref<!tpu.dma_semaphore, #tpu.memory_space<semaphore_mem>>
        %dma_start3A = arith.constant 0 : i32
        %dma_start3A_23 = tpu.memref_slice %arg10[%mul3A_15, %dma_start3A] : memref<10112x64xf32, #tpu.memory_space<hbm>> -> memref<632x64xf32, #tpu.memory_space<hbm>>
        %dma_start3A_24 = arith.constant 0 : i32
        %dma_start3A_25 = tpu.memref_slice %arg18[%mul3A_15, %dma_start3A_24] : memref<10112x64xf32, #tpu.memory_space<vmem_shared>> -> memref<632x64xf32, #tpu.memory_space<vmem_shared>>
        tpu.enqueue_dma source(%dma_start3A_25 : memref<632x64xf32, #tpu.memory_space<vmem_shared>>) target(%dma_start3A_23 : memref<632x64xf32, #tpu.memory_space<hbm>>) target_semaphore(%run_scoped3A : memref<!tpu.dma_semaphore, #tpu.memory_space<semaphore_mem>>)
        %dma_wait3A = arith.constant 0 : i32
        %dma_wait3A_26 = tpu.memref_slice %arg10[%mul3A_15, %dma_wait3A] : memref<10112x64xf32, #tpu.memory_space<hbm>> -> memref<632x64xf32, #tpu.memory_space<hbm>>
        %dma_wait3A_27 = arith.constant 0 : i32
        %dma_wait3A_28 = tpu.memref_slice %arg18[%mul3A_15, %dma_wait3A_27] : memref<10112x64xf32, #tpu.memory_space<vmem_shared>> -> memref<632x64xf32, #tpu.memory_space<vmem_shared>>
        tpu.wait_dma2 semaphore(%run_scoped3A : memref<!tpu.dma_semaphore, #tpu.memory_space<semaphore_mem>>) src(%dma_wait3A_28 : memref<632x64xf32, #tpu.memory_space<vmem_shared>>) dst(%dma_wait3A_26 : memref<632x64xf32, #tpu.memory_space<hbm>>)
        tpu.yield
      }) : () -> ()
    } else {
    }
    return
  }
}

#map = affine_map<(d0, d1) -> (0, 0)>
#map1 = affine_map<(d0, d1) -> (0)>
module attributes {stable_mosaic.version = 14 : i64} {
  func.func @sc_pass_b1(%arg0: i32, %arg1: i32, %arg2: memref<10000x16xf32, #tpu.memory_space<hbm>>, %arg3: memref<320000x16xf32, #tpu.memory_space<hbm>>, %arg4: memref<10112x16xf32, #tpu.memory_space<hbm>>, %arg5: memref<10112x16xf32, #tpu.memory_space<hbm>>, %arg6: memref<320000xi32, #tpu.memory_space<hbm>>, %arg7: memref<320000xi32, #tpu.memory_space<hbm>>, %arg8: memref<10112x16xf32, #tpu.memory_space<hbm>>, %arg9: memref<10112x16xf32, #tpu.memory_space<hbm>>, %arg10: memref<10112x16xf32, #tpu.memory_space<hbm>>, %arg11: memref<400xi32, #tpu.memory_space<vmem>>, %arg12: memref<400xi32, #tpu.memory_space<vmem>>, %arg13: memref<400x16xf32, #tpu.memory_space<vmem>>, %arg14: memref<400x16xf32, #tpu.memory_space<vmem>>, %arg15: memref<400x16xf32, #tpu.memory_space<vmem>>, %arg16: memref<400x16xf32, #tpu.memory_space<vmem>>, %arg17: memref<400x16xf32, #tpu.memory_space<vmem>>, %arg18: memref<10112x16xf32, #tpu.memory_space<vmem_shared>>) attributes {dimension_semantics = [#tpu.dimension_semantics<core_parallel>, #tpu.dimension_semantics<subcore_parallel>], iteration_bounds = array<i64: 2, 16>, scalar_prefetch = 0 : i64, scratch_operands = 8 : i64, tpu.core_type = #tpu.core_type<sc_vector_subcore>, window_params = [{transform_indices = #map}, {transform_indices = #map}, {transform_indices = #map}, {transform_indices = #map}, {transform_indices = #map1}, {transform_indices = #map1}, {transform_indices = #map}, {transform_indices = #map}, {transform_indices = #map}]} {
    %mul3A = arith.constant 632 : i32
    %mul3A_0 = arith.muli %arg1, %mul3A : i32
    %mul3A_1 = arith.constant 632 : i32
    %mul3A_2 = arith.muli %arg1, %mul3A_1 : i32
    "tpu.region"() ({
      %run_scoped3A = tpu.sem_alloc : memref<!tpu.dma_semaphore, #tpu.memory_space<semaphore_mem>>
      %dma_start3A = arith.constant 0 : i32
      %dma_start3A_21 = tpu.memref_slice %arg18[%mul3A_2, %dma_start3A] : memref<10112x16xf32, #tpu.memory_space<vmem_shared>> -> memref<632x16xf32, #tpu.memory_space<vmem_shared>>
      %dma_start3A_22 = arith.constant 0 : i32
      %dma_start3A_23 = tpu.memref_slice %arg8[%mul3A_0, %dma_start3A_22] : memref<10112x16xf32, #tpu.memory_space<hbm>> -> memref<632x16xf32, #tpu.memory_space<hbm>>
      tpu.enqueue_dma source(%dma_start3A_23 : memref<632x16xf32, #tpu.memory_space<hbm>>) target(%dma_start3A_21 : memref<632x16xf32, #tpu.memory_space<vmem_shared>>) target_semaphore(%run_scoped3A : memref<!tpu.dma_semaphore, #tpu.memory_space<semaphore_mem>>)
      %dma_wait3A = arith.constant 0 : i32
      %dma_wait3A_24 = tpu.memref_slice %arg18[%mul3A_2, %dma_wait3A] : memref<10112x16xf32, #tpu.memory_space<vmem_shared>> -> memref<632x16xf32, #tpu.memory_space<vmem_shared>>
      %dma_wait3A_25 = arith.constant 0 : i32
      %dma_wait3A_26 = tpu.memref_slice %arg8[%mul3A_0, %dma_wait3A_25] : memref<10112x16xf32, #tpu.memory_space<hbm>> -> memref<632x16xf32, #tpu.memory_space<hbm>>
      tpu.wait_dma2 semaphore(%run_scoped3A : memref<!tpu.dma_semaphore, #tpu.memory_space<semaphore_mem>>) src(%dma_wait3A_26 : memref<632x16xf32, #tpu.memory_space<hbm>>) dst(%dma_wait3A_24 : memref<632x16xf32, #tpu.memory_space<vmem_shared>>)
      tpu.yield
    }) : () -> ()
    %barrier3A = arith.constant 0 : index
    tpu.barrier barrier_id(%barrier3A)
    %mul3A_3 = arith.constant 16 : i32
    %mul3A_4 = arith.muli %arg0, %mul3A_3 : i32
    %add3A = arith.addi %mul3A_4, %arg1 : i32
    %mul3A_5 = arith.constant 10000 : i32
    %mul3A_6 = arith.muli %add3A, %mul3A_5 : i32
    %scan3A = arith.constant 0 : i32
    %scan3A_7 = arith.constant 25 : i32
    %scan3A_8 = arith.addi %scan3A, %scan3A_7 : i32
    %scan3A_9 = arith.constant 1 : i32
    scf.for %scan3A_21 = %scan3A to %scan3A_8 step %scan3A_9  : i32 {
      %mul3A_22 = arith.constant 1 : i32
      %mul3A_23 = arith.muli %scan3A_21, %mul3A_22 : i32
      %add3A_24 = arith.constant 0 : i32
      %add3A_25 = arith.addi %add3A_24, %mul3A_23 : i32
      %mul3A_26 = arith.constant 400 : i32
      %mul3A_27 = arith.muli %add3A_25, %mul3A_26 : i32
      %add3A_28 = arith.addi %mul3A_6, %mul3A_27 : i32
      "tpu.region"() ({
        %run_scoped3A = tpu.sem_alloc : memref<!tpu.dma_semaphore, #tpu.memory_space<semaphore_mem>>
        %dma_start3A = tpu.memref_slice %arg6[%add3A_28] : memref<320000xi32, #tpu.memory_space<hbm>> -> memref<400xi32, #tpu.memory_space<hbm>>
        %dma_start3A_34 = tpu.memref_slice %arg6[%add3A_28] : memref<320000xi32, #tpu.memory_space<hbm>> -> memref<400xi32, #tpu.memory_space<hbm>>
        tpu.enqueue_dma source(%dma_start3A_34 : memref<400xi32, #tpu.memory_space<hbm>>) target(%arg11 : memref<400xi32, #tpu.memory_space<vmem>>) target_semaphore(%run_scoped3A : memref<!tpu.dma_semaphore, #tpu.memory_space<semaphore_mem>>)
        %dma_wait3A = tpu.memref_slice %arg6[%add3A_28] : memref<320000xi32, #tpu.memory_space<hbm>> -> memref<400xi32, #tpu.memory_space<hbm>>
        %dma_wait3A_35 = tpu.memref_slice %arg6[%add3A_28] : memref<320000xi32, #tpu.memory_space<hbm>> -> memref<400xi32, #tpu.memory_space<hbm>>
        tpu.wait_dma2 semaphore(%run_scoped3A : memref<!tpu.dma_semaphore, #tpu.memory_space<semaphore_mem>>) src(%dma_wait3A_35 : memref<400xi32, #tpu.memory_space<hbm>>) dst(%arg11 : memref<400xi32, #tpu.memory_space<vmem>>)
        tpu.yield
      }) : () -> ()
      "tpu.region"() ({
        %run_scoped3A = tpu.sem_alloc : memref<!tpu.dma_semaphore, #tpu.memory_space<semaphore_mem>>
        %dma_start3A = tpu.memref_slice %arg7[%add3A_28] : memref<320000xi32, #tpu.memory_space<hbm>> -> memref<400xi32, #tpu.memory_space<hbm>>
        %dma_start3A_34 = tpu.memref_slice %arg7[%add3A_28] : memref<320000xi32, #tpu.memory_space<hbm>> -> memref<400xi32, #tpu.memory_space<hbm>>
        tpu.enqueue_dma source(%dma_start3A_34 : memref<400xi32, #tpu.memory_space<hbm>>) target(%arg12 : memref<400xi32, #tpu.memory_space<vmem>>) target_semaphore(%run_scoped3A : memref<!tpu.dma_semaphore, #tpu.memory_space<semaphore_mem>>)
        %dma_wait3A = tpu.memref_slice %arg7[%add3A_28] : memref<320000xi32, #tpu.memory_space<hbm>> -> memref<400xi32, #tpu.memory_space<hbm>>
        %dma_wait3A_35 = tpu.memref_slice %arg7[%add3A_28] : memref<320000xi32, #tpu.memory_space<hbm>> -> memref<400xi32, #tpu.memory_space<hbm>>
        tpu.wait_dma2 semaphore(%run_scoped3A : memref<!tpu.dma_semaphore, #tpu.memory_space<semaphore_mem>>) src(%dma_wait3A_35 : memref<400xi32, #tpu.memory_space<hbm>>) dst(%arg12 : memref<400xi32, #tpu.memory_space<vmem>>)
        tpu.yield
      }) : () -> ()
      "tpu.region"() ({
        %run_scoped3A = tpu.sem_alloc : memref<!tpu.dma_semaphore, #tpu.memory_space<semaphore_mem>>
        %dma_start3A = arith.constant 0 : i32
        %dma_start3A_34 = arith.constant 0 : i32
        %dma_start3A_35 = tpu.memref_slice %arg2[%dma_start3A, %dma_start3A_34] : memref<10000x16xf32, #tpu.memory_space<hbm>> -> memref<10000x16xf32, #tpu.memory_space<hbm>>
        tpu.enqueue_indirect_dma source(%dma_start3A_35 : memref<10000x16xf32, #tpu.memory_space<hbm>>) target(%arg13 : memref<400x16xf32, #tpu.memory_space<vmem>>) offsets(%arg11 : memref<400xi32, #tpu.memory_space<vmem>>) semaphore(%run_scoped3A : memref<!tpu.dma_semaphore, #tpu.memory_space<semaphore_mem>>)
        %dma_wait3A = arith.constant 0 : i32
        %dma_wait3A_36 = arith.constant 0 : i32
        %dma_wait3A_37 = tpu.memref_slice %arg2[%dma_wait3A, %dma_wait3A_36] : memref<10000x16xf32, #tpu.memory_space<hbm>> -> memref<10000x16xf32, #tpu.memory_space<hbm>>
        tpu.wait_indirect_dma semaphore(%run_scoped3A : memref<!tpu.dma_semaphore, #tpu.memory_space<semaphore_mem>>) src(%dma_wait3A_37 : memref<10000x16xf32, #tpu.memory_space<hbm>>) dst(%arg13 : memref<400x16xf32, #tpu.memory_space<vmem>>)
        tpu.yield
      }) : () -> ()
      "tpu.region"() ({
        %run_scoped3A = tpu.sem_alloc : memref<!tpu.dma_semaphore, #tpu.memory_space<semaphore_mem>>
        %dma_start3A = arith.constant 0 : i32
        %dma_start3A_34 = tpu.memref_slice %arg3[%add3A_28, %dma_start3A] : memref<320000x16xf32, #tpu.memory_space<hbm>> -> memref<400x16xf32, #tpu.memory_space<hbm>>
        %dma_start3A_35 = arith.constant 0 : i32
        %dma_start3A_36 = tpu.memref_slice %arg3[%add3A_28, %dma_start3A_35] : memref<320000x16xf32, #tpu.memory_space<hbm>> -> memref<400x16xf32, #tpu.memory_space<hbm>>
        tpu.enqueue_dma source(%dma_start3A_36 : memref<400x16xf32, #tpu.memory_space<hbm>>) target(%arg14 : memref<400x16xf32, #tpu.memory_space<vmem>>) target_semaphore(%run_scoped3A : memref<!tpu.dma_semaphore, #tpu.memory_space<semaphore_mem>>)
        %dma_wait3A = arith.constant 0 : i32
        %dma_wait3A_37 = tpu.memref_slice %arg3[%add3A_28, %dma_wait3A] : memref<320000x16xf32, #tpu.memory_space<hbm>> -> memref<400x16xf32, #tpu.memory_space<hbm>>
        %dma_wait3A_38 = arith.constant 0 : i32
        %dma_wait3A_39 = tpu.memref_slice %arg3[%add3A_28, %dma_wait3A_38] : memref<320000x16xf32, #tpu.memory_space<hbm>> -> memref<400x16xf32, #tpu.memory_space<hbm>>
        tpu.wait_dma2 semaphore(%run_scoped3A : memref<!tpu.dma_semaphore, #tpu.memory_space<semaphore_mem>>) src(%dma_wait3A_39 : memref<400x16xf32, #tpu.memory_space<hbm>>) dst(%arg14 : memref<400x16xf32, #tpu.memory_space<vmem>>)
        tpu.yield
      }) : () -> ()
      "tpu.region"() ({
        %run_scoped3A = tpu.sem_alloc : memref<!tpu.dma_semaphore, #tpu.memory_space<semaphore_mem>>
        %dma_start3A = arith.constant 0 : i32
        %dma_start3A_34 = arith.constant 0 : i32
        %dma_start3A_35 = tpu.memref_slice %arg4[%dma_start3A, %dma_start3A_34] : memref<10112x16xf32, #tpu.memory_space<hbm>> -> memref<10112x16xf32, #tpu.memory_space<hbm>>
        tpu.enqueue_indirect_dma source(%dma_start3A_35 : memref<10112x16xf32, #tpu.memory_space<hbm>>) target(%arg15 : memref<400x16xf32, #tpu.memory_space<vmem>>) offsets(%arg12 : memref<400xi32, #tpu.memory_space<vmem>>) semaphore(%run_scoped3A : memref<!tpu.dma_semaphore, #tpu.memory_space<semaphore_mem>>)
        %dma_wait3A = arith.constant 0 : i32
        %dma_wait3A_36 = arith.constant 0 : i32
        %dma_wait3A_37 = tpu.memref_slice %arg4[%dma_wait3A, %dma_wait3A_36] : memref<10112x16xf32, #tpu.memory_space<hbm>> -> memref<10112x16xf32, #tpu.memory_space<hbm>>
        tpu.wait_indirect_dma semaphore(%run_scoped3A : memref<!tpu.dma_semaphore, #tpu.memory_space<semaphore_mem>>) src(%dma_wait3A_37 : memref<10112x16xf32, #tpu.memory_space<hbm>>) dst(%arg15 : memref<400x16xf32, #tpu.memory_space<vmem>>)
        tpu.yield
      }) : () -> ()
      "tpu.region"() ({
        %run_scoped3A = tpu.sem_alloc : memref<!tpu.dma_semaphore, #tpu.memory_space<semaphore_mem>>
        %dma_start3A = arith.constant 0 : i32
        %dma_start3A_34 = arith.constant 0 : i32
        %dma_start3A_35 = tpu.memref_slice %arg5[%dma_start3A, %dma_start3A_34] : memref<10112x16xf32, #tpu.memory_space<hbm>> -> memref<10112x16xf32, #tpu.memory_space<hbm>>
        tpu.enqueue_indirect_dma source(%dma_start3A_35 : memref<10112x16xf32, #tpu.memory_space<hbm>>) target(%arg16 : memref<400x16xf32, #tpu.memory_space<vmem>>) offsets(%arg12 : memref<400xi32, #tpu.memory_space<vmem>>) semaphore(%run_scoped3A : memref<!tpu.dma_semaphore, #tpu.memory_space<semaphore_mem>>)
        %dma_wait3A = arith.constant 0 : i32
        %dma_wait3A_36 = arith.constant 0 : i32
        %dma_wait3A_37 = tpu.memref_slice %arg5[%dma_wait3A, %dma_wait3A_36] : memref<10112x16xf32, #tpu.memory_space<hbm>> -> memref<10112x16xf32, #tpu.memory_space<hbm>>
        tpu.wait_indirect_dma semaphore(%run_scoped3A : memref<!tpu.dma_semaphore, #tpu.memory_space<semaphore_mem>>) src(%dma_wait3A_37 : memref<10112x16xf32, #tpu.memory_space<hbm>>) dst(%arg16 : memref<400x16xf32, #tpu.memory_space<vmem>>)
        tpu.yield
      }) : () -> ()
      %scan3A_29 = arith.constant 0 : i32
      %scan3A_30 = arith.constant 400 : i32
      %scan3A_31 = arith.addi %scan3A_29, %scan3A_30 : i32
      %scan3A_32 = arith.constant 1 : i32
      scf.for %scan3A_34 = %scan3A_29 to %scan3A_31 step %scan3A_32  : i32 {
        %mul3A_35 = arith.constant 1 : i32
        %mul3A_36 = arith.muli %scan3A_34, %mul3A_35 : i32
        %add3A_37 = arith.constant 0 : i32
        %add3A_38 = arith.addi %add3A_37, %mul3A_36 : i32
        %get3A = arith.index_cast %add3A_38 : i32 to index
        %get3A_39 = arith.constant 0 : index
        %get3A_40 = tpu.vector_load %arg14[%get3A, %get3A_39] {strides = array<i32>} : memref<400x16xf32, #tpu.memory_space<vmem>>, vector<1x16xf32>,
        %get3A_41 = vector.shape_cast %get3A_40 : vector<1x16xf32> to vector<16xf32>
        %get3A_42 = arith.index_cast %add3A_38 : i32 to index
        %get3A_43 = arith.constant 0 : index
        %get3A_44 = tpu.vector_load %arg15[%get3A_42, %get3A_43] {strides = array<i32>} : memref<400x16xf32, #tpu.memory_space<vmem>>, vector<1x16xf32>,
        %get3A_45 = vector.shape_cast %get3A_44 : vector<1x16xf32> to vector<16xf32>
        %get3A_46 = arith.index_cast %add3A_38 : i32 to index
        %get3A_47 = arith.constant 0 : index
        %get3A_48 = tpu.vector_load %arg16[%get3A_46, %get3A_47] {strides = array<i32>} : memref<400x16xf32, #tpu.memory_space<vmem>>, vector<1x16xf32>,
        %get3A_49 = vector.shape_cast %get3A_48 : vector<1x16xf32> to vector<16xf32>
        %add3A_50 = arith.addf %get3A_45, %get3A_49 : vector<16xf32>
        %div3A = arith.divf %get3A_41, %add3A_50 : vector<16xf32>
        %get3A_51 = arith.index_cast %add3A_38 : i32 to index
        %get3A_52 = arith.constant 0 : index
        %get3A_53 = tpu.vector_load %arg13[%get3A_51, %get3A_52] {strides = array<i32>} : memref<400x16xf32, #tpu.memory_space<vmem>>, vector<1x16xf32>,
        %get3A_54 = vector.shape_cast %get3A_53 : vector<1x16xf32> to vector<16xf32>
        %mul3A_55 = arith.mulf %get3A_54, %div3A : vector<16xf32>
        %swap3A = arith.index_cast %add3A_38 : i32 to index
        %swap3A_56 = arith.constant 0 : index
        %swap3A_57 = tpu.vector_load %arg17[%swap3A, %swap3A_56] {strides = array<i32>} : memref<400x16xf32, #tpu.memory_space<vmem>>, vector<1x16xf32>,
        %swap3A_58 = vector.shape_cast %swap3A_57 : vector<1x16xf32> to vector<16xf32>
        %swap3A_59 = vector.shape_cast %mul3A_55 : vector<16xf32> to vector<1x16xf32>
        tpu.vector_store %arg17[%swap3A, %swap3A_56], %swap3A_59 {strides = array<i32>} : memref<400x16xf32, #tpu.memory_space<vmem>>, vector<1x16xf32>,
      }
      %scan3A_33 = arith.constant 400 : i32
      "tpu.region"() ({
        %run_scoped3A = tpu.sem_alloc : memref<!tpu.dma_semaphore, #tpu.memory_space<semaphore_mem>>
        %dma_start3A = arith.constant 0 : i32
        %dma_start3A_34 = arith.constant 0 : i32
        %dma_start3A_35 = tpu.memref_slice %arg18[%dma_start3A, %dma_start3A_34] : memref<10112x16xf32, #tpu.memory_space<vmem_shared>> -> memref<10112x16xf32, #tpu.memory_space<vmem_shared>>
        tpu.enqueue_indirect_dma source(%arg17 : memref<400x16xf32, #tpu.memory_space<vmem>>) target(%dma_start3A_35 : memref<10112x16xf32, #tpu.memory_space<vmem_shared>>) offsets(%arg12 : memref<400xi32, #tpu.memory_space<vmem>>) semaphore(%run_scoped3A : memref<!tpu.dma_semaphore, #tpu.memory_space<semaphore_mem>>) {add = true}
        %dma_wait3A = arith.constant 0 : i32
        %dma_wait3A_36 = arith.constant 0 : i32
        %dma_wait3A_37 = tpu.memref_slice %arg18[%dma_wait3A, %dma_wait3A_36] : memref<10112x16xf32, #tpu.memory_space<vmem_shared>> -> memref<10112x16xf32, #tpu.memory_space<vmem_shared>>
        tpu.wait_indirect_dma semaphore(%run_scoped3A : memref<!tpu.dma_semaphore, #tpu.memory_space<semaphore_mem>>) src(%arg17 : memref<400x16xf32, #tpu.memory_space<vmem>>) dst(%dma_wait3A_37 : memref<10112x16xf32, #tpu.memory_space<vmem_shared>>)
        tpu.yield
      }) : () -> ()
    }
    %scan3A_10 = arith.constant 25 : i32
    %barrier3A_11 = arith.constant 0 : index
    tpu.barrier barrier_id(%barrier3A_11)
    %mul3A_12 = arith.constant 632 : i32
    %mul3A_13 = arith.muli %arg1, %mul3A_12 : i32
    %eq3A = arith.constant 0 : i32
    %eq3A_14 = arith.cmpi eq, %arg0, %eq3A : i32
    %convert_element_type3A = arith.extui %eq3A_14 : i1 to i32
    %cond3A = arith.constant 0 : i32
    %cond3A_15 = arith.cmpi ne, %convert_element_type3A, %cond3A : i32
    scf.if %cond3A_15 {
      "tpu.region"() ({
        %run_scoped3A = tpu.sem_alloc : memref<!tpu.dma_semaphore, #tpu.memory_space<semaphore_mem>>
        %dma_start3A = arith.constant 0 : i32
        %dma_start3A_21 = tpu.memref_slice %arg9[%mul3A_13, %dma_start3A] : memref<10112x16xf32, #tpu.memory_space<hbm>> -> memref<632x16xf32, #tpu.memory_space<hbm>>
        %dma_start3A_22 = arith.constant 0 : i32
        %dma_start3A_23 = tpu.memref_slice %arg18[%mul3A_13, %dma_start3A_22] : memref<10112x16xf32, #tpu.memory_space<vmem_shared>> -> memref<632x16xf32, #tpu.memory_space<vmem_shared>>
        tpu.enqueue_dma source(%dma_start3A_23 : memref<632x16xf32, #tpu.memory_space<vmem_shared>>) target(%dma_start3A_21 : memref<632x16xf32, #tpu.memory_space<hbm>>) target_semaphore(%run_scoped3A : memref<!tpu.dma_semaphore, #tpu.memory_space<semaphore_mem>>)
        %dma_wait3A = arith.constant 0 : i32
        %dma_wait3A_24 = tpu.memref_slice %arg9[%mul3A_13, %dma_wait3A] : memref<10112x16xf32, #tpu.memory_space<hbm>> -> memref<632x16xf32, #tpu.memory_space<hbm>>
        %dma_wait3A_25 = arith.constant 0 : i32
        %dma_wait3A_26 = tpu.memref_slice %arg18[%mul3A_13, %dma_wait3A_25] : memref<10112x16xf32, #tpu.memory_space<vmem_shared>> -> memref<632x16xf32, #tpu.memory_space<vmem_shared>>
        tpu.wait_dma2 semaphore(%run_scoped3A : memref<!tpu.dma_semaphore, #tpu.memory_space<semaphore_mem>>) src(%dma_wait3A_26 : memref<632x16xf32, #tpu.memory_space<vmem_shared>>) dst(%dma_wait3A_24 : memref<632x16xf32, #tpu.memory_space<hbm>>)
        tpu.yield
      }) : () -> ()
    } else {
    }
    %eq3A_16 = arith.constant 1 : i32
    %eq3A_17 = arith.cmpi eq, %arg0, %eq3A_16 : i32
    %convert_element_type3A_18 = arith.extui %eq3A_17 : i1 to i32
    %cond3A_19 = arith.constant 0 : i32
    %cond3A_20 = arith.cmpi ne, %convert_element_type3A_18, %cond3A_19 : i32
    scf.if %cond3A_20 {
      "tpu.region"() ({
        %run_scoped3A = tpu.sem_alloc : memref<!tpu.dma_semaphore, #tpu.memory_space<semaphore_mem>>
        %dma_start3A = arith.constant 0 : i32
        %dma_start3A_21 = tpu.memref_slice %arg10[%mul3A_13, %dma_start3A] : memref<10112x16xf32, #tpu.memory_space<hbm>> -> memref<632x16xf32, #tpu.memory_space<hbm>>
        %dma_start3A_22 = arith.constant 0 : i32
        %dma_start3A_23 = tpu.memref_slice %arg18[%mul3A_13, %dma_start3A_22] : memref<10112x16xf32, #tpu.memory_space<vmem_shared>> -> memref<632x16xf32, #tpu.memory_space<vmem_shared>>
        tpu.enqueue_dma source(%dma_start3A_23 : memref<632x16xf32, #tpu.memory_space<vmem_shared>>) target(%dma_start3A_21 : memref<632x16xf32, #tpu.memory_space<hbm>>) target_semaphore(%run_scoped3A : memref<!tpu.dma_semaphore, #tpu.memory_space<semaphore_mem>>)
        %dma_wait3A = arith.constant 0 : i32
        %dma_wait3A_24 = tpu.memref_slice %arg10[%mul3A_13, %dma_wait3A] : memref<10112x16xf32, #tpu.memory_space<hbm>> -> memref<632x16xf32, #tpu.memory_space<hbm>>
        %dma_wait3A_25 = arith.constant 0 : i32
        %dma_wait3A_26 = tpu.memref_slice %arg18[%mul3A_13, %dma_wait3A_25] : memref<10112x16xf32, #tpu.memory_space<vmem_shared>> -> memref<632x16xf32, #tpu.memory_space<vmem_shared>>
        tpu.wait_dma2 semaphore(%run_scoped3A : memref<!tpu.dma_semaphore, #tpu.memory_space<semaphore_mem>>) src(%dma_wait3A_26 : memref<632x16xf32, #tpu.memory_space<vmem_shared>>) dst(%dma_wait3A_24 : memref<632x16xf32, #tpu.memory_space<hbm>>)
        tpu.yield
      }) : () -> ()
    } else {
    }
    return
  }
}

module attributes {stable_mosaic.version = 14 : i64} {
  func.func @tc1_body(%arg0: i32, %arg1: memref<1000x128xf32, #tpu.memory_space<vmem>>, %arg2: memref<128x64xf32, #tpu.memory_space<vmem>>, %arg3: memref<64x16xf32, #tpu.memory_space<vmem>>, %arg4: memref<1000x64xf32, #tpu.memory_space<vmem>>, %arg5: memref<1000x16xf32, #tpu.memory_space<vmem>>) attributes {dimension_semantics = [#tpu.dimension_semantics<arbitrary>], iteration_bounds = array<i64: 10>, scalar_prefetch = 0 : i64, scratch_operands = 0 : i64, tpu.core_type = #tpu.core_type<tc>, window_params = [{transform_indices = @transform_0, window_bounds = array<i64: 1000, 128>}, {pipeline_mode = #tpu.pipeline_mode<synchronous>, transform_indices = @transform_1, window_bounds = array<i64: 128, 64>}, {pipeline_mode = #tpu.pipeline_mode<synchronous>, transform_indices = @transform_2, window_bounds = array<i64: 64, 16>}, {transform_indices = @transform_3, window_bounds = array<i64: 1000, 64>}, {transform_indices = @transform_4, window_bounds = array<i64: 1000, 16>}]} {
    %get3A = arith.constant 0 : index
    %get3A_0 = arith.constant 0 : index
    %get3A_1 = vector.load %arg1[%get3A, %get3A_0] : memref<1000x128xf32, #tpu.memory_space<vmem>>, vector<1000x128xf32>
    %get3A_2 = arith.constant 0 : index
    %get3A_3 = arith.constant 0 : index
    %get3A_4 = vector.load %arg2[%get3A_2, %get3A_3] : memref<128x64xf32, #tpu.memory_space<vmem>>, vector<128x64xf32>
    %dot_general3A = arith.constant dense<0.000000e+00> : vector<1000x64xf32>
    %dot_general3A_5 = tpu.matmul %get3A_1, %get3A_4, %dot_general3A {dimension_numbers = #tpu.dot_dimension_numbers<[1], [0], [0], [1], [0, 0, 1, 1], [], []>, transpose_lhs_hint = false} : vector<1000x128xf32>, vector<128x64xf32>, vector<1000x64xf32> -> vector<1000x64xf32>
    %swap3A = arith.constant 0 : index
    %swap3A_6 = arith.constant 0 : index
    %swap3A_7 = vector.load %arg4[%swap3A, %swap3A_6] : memref<1000x64xf32, #tpu.memory_space<vmem>>, vector<1000x64xf32>
    tpu.vector_store %arg4[%swap3A, %swap3A_6], %dot_general3A_5 {strides = array<i32>} : memref<1000x64xf32, #tpu.memory_space<vmem>>, vector<1000x64xf32>,
    %get3A_8 = arith.constant 0 : index
    %get3A_9 = arith.constant 0 : index
    %get3A_10 = vector.load %arg3[%get3A_8, %get3A_9] : memref<64x16xf32, #tpu.memory_space<vmem>>, vector<64x16xf32>
    %dot_general3A_11 = arith.constant dense<0.000000e+00> : vector<1000x16xf32>
    %dot_general3A_12 = tpu.matmul %dot_general3A_5, %get3A_10, %dot_general3A_11 {dimension_numbers = #tpu.dot_dimension_numbers<[1], [0], [0], [1], [0, 0, 1, 1], [], []>, transpose_lhs_hint = false} : vector<1000x64xf32>, vector<64x16xf32>, vector<1000x16xf32> -> vector<1000x16xf32>
    %swap3A_13 = arith.constant 0 : index
    %swap3A_14 = arith.constant 0 : index
    %swap3A_15 = vector.load %arg5[%swap3A_13, %swap3A_14] : memref<1000x16xf32, #tpu.memory_space<vmem>>, vector<1000x16xf32>
    tpu.vector_store %arg5[%swap3A_13, %swap3A_14], %dot_general3A_12 {strides = array<i32>} : memref<1000x16xf32, #tpu.memory_space<vmem>>, vector<1000x16xf32>,
    return
  }
  func.func @transform_0(%arg0: i32) -> (i32, i32) {
    %c0_i32 = arith.constant 0 : i32
    %c0_i32_0 = arith.constant 0 : i32
    return %arg0, %c0_i32 : i32, i32
  }
  func.func @transform_1(%arg0: i32) -> (i32, i32) {
    %c0_i32 = arith.constant 0 : i32
    %c0_i32_0 = arith.constant 0 : i32
    %c0_i32_1 = arith.constant 0 : i32
    return %c0_i32, %c0_i32_0 : i32, i32
  }
  func.func @transform_2(%arg0: i32) -> (i32, i32) {
    %c0_i32 = arith.constant 0 : i32
    %c0_i32_0 = arith.constant 0 : i32
    %c0_i32_1 = arith.constant 0 : i32
    return %c0_i32, %c0_i32_0 : i32, i32
  }
  func.func @transform_3(%arg0: i32) -> (i32, i32) {
    %c0_i32 = arith.constant 0 : i32
    %c0_i32_0 = arith.constant 0 : i32
    return %arg0, %c0_i32 : i32, i32
  }
  func.func @transform_4(%arg0: i32) -> (i32, i32) {
    %c0_i32 = arith.constant 0 : i32
    %c0_i32_0 = arith.constant 0 : i32
    return %arg0, %c0_i32 : i32, i32
  }
}

module attributes {stable_mosaic.version = 14 : i64} {
  func.func @tc2_body(%arg0: i32, %arg1: memref<1000x64xf32, #tpu.memory_space<vmem>>, %arg2: memref<1000x64xf32, #tpu.memory_space<vmem>>, %arg3: memref<64x16xf32, #tpu.memory_space<vmem>>, %arg4: memref<64x16xf32, #tpu.memory_space<vmem>>, %arg5: memref<64x16xf32, #tpu.memory_space<vmem>>, %arg6: memref<1000x16xf32, #tpu.memory_space<vmem>>, %arg7: memref<1000x16xf32, #tpu.memory_space<vmem>>, %arg8: memref<1000x16xf32, #tpu.memory_space<vmem>>) attributes {dimension_semantics = [#tpu.dimension_semantics<arbitrary>], iteration_bounds = array<i64: 10>, scalar_prefetch = 0 : i64, scratch_operands = 0 : i64, tpu.core_type = #tpu.core_type<tc>, window_params = [{transform_indices = @transform_0, window_bounds = array<i64: 1000, 64>}, {transform_indices = @transform_1, window_bounds = array<i64: 1000, 64>}, {pipeline_mode = #tpu.pipeline_mode<synchronous>, transform_indices = @transform_2, window_bounds = array<i64: 64, 16>}, {pipeline_mode = #tpu.pipeline_mode<synchronous>, transform_indices = @transform_3, window_bounds = array<i64: 64, 16>}, {pipeline_mode = #tpu.pipeline_mode<synchronous>, transform_indices = @transform_4, window_bounds = array<i64: 64, 16>}, {transform_indices = @transform_5, window_bounds = array<i64: 1000, 16>}, {transform_indices = @transform_6, window_bounds = array<i64: 1000, 16>}, {transform_indices = @transform_7, window_bounds = array<i64: 1000, 16>}]} {
    %get3A = arith.constant 0 : index
    %get3A_0 = arith.constant 0 : index
    %get3A_1 = vector.load %arg1[%get3A, %get3A_0] : memref<1000x64xf32, #tpu.memory_space<vmem>>, vector<1000x64xf32>
    %get3A_2 = arith.constant 0 : index
    %get3A_3 = arith.constant 0 : index
    %get3A_4 = vector.load %arg2[%get3A_2, %get3A_3] : memref<1000x64xf32, #tpu.memory_space<vmem>>, vector<1000x64xf32>
    %add3A = arith.addf %get3A_1, %get3A_4 : vector<1000x64xf32>
    %gt3A = arith.constant 0.000000e+00 : f32
    %gt3A_5 = vector.broadcast %gt3A : f32 to vector<1000x64xf32>
    %gt3A_6 = arith.cmpf ogt, %add3A, %gt3A_5 : vector<1000x64xf32>
    %exp3A = math.exp %add3A : vector<1000x64xf32>
    %sub3A = arith.constant 1.000000e+00 : f32
    %sub3A_7 = vector.broadcast %sub3A : f32 to vector<1000x64xf32>
    %sub3A_8 = arith.subf %exp3A, %sub3A_7 : vector<1000x64xf32>
    %select_n3A = arith.select %gt3A_6, %add3A, %sub3A_8 : vector<1000x64xi1>, vector<1000x64xf32>
    %get3A_9 = arith.constant 0 : index
    %get3A_10 = arith.constant 0 : index
    %get3A_11 = vector.load %arg3[%get3A_9, %get3A_10] : memref<64x16xf32, #tpu.memory_space<vmem>>, vector<64x16xf32>
    %dot_general3A = arith.constant dense<0.000000e+00> : vector<1000x16xf32>
    %dot_general3A_12 = tpu.matmul %select_n3A, %get3A_11, %dot_general3A {dimension_numbers = #tpu.dot_dimension_numbers<[1], [0], [0], [1], [0, 0, 1, 1], [], []>, transpose_lhs_hint = false} : vector<1000x64xf32>, vector<64x16xf32>, vector<1000x16xf32> -> vector<1000x16xf32>
    %swap3A = arith.constant 0 : index
    %swap3A_13 = arith.constant 0 : index
    %swap3A_14 = vector.load %arg6[%swap3A, %swap3A_13] : memref<1000x16xf32, #tpu.memory_space<vmem>>, vector<1000x16xf32>
    tpu.vector_store %arg6[%swap3A, %swap3A_13], %dot_general3A_12 {strides = array<i32>} : memref<1000x16xf32, #tpu.memory_space<vmem>>, vector<1000x16xf32>,
    %get3A_15 = arith.constant 0 : index
    %get3A_16 = arith.constant 0 : index
    %get3A_17 = vector.load %arg4[%get3A_15, %get3A_16] : memref<64x16xf32, #tpu.memory_space<vmem>>, vector<64x16xf32>
    %dot_general3A_18 = arith.constant dense<0.000000e+00> : vector<1000x16xf32>
    %dot_general3A_19 = tpu.matmul %select_n3A, %get3A_17, %dot_general3A_18 {dimension_numbers = #tpu.dot_dimension_numbers<[1], [0], [0], [1], [0, 0, 1, 1], [], []>, transpose_lhs_hint = false} : vector<1000x64xf32>, vector<64x16xf32>, vector<1000x16xf32> -> vector<1000x16xf32>
    %swap3A_20 = arith.constant 0 : index
    %swap3A_21 = arith.constant 0 : index
    %swap3A_22 = vector.load %arg7[%swap3A_20, %swap3A_21] : memref<1000x16xf32, #tpu.memory_space<vmem>>, vector<1000x16xf32>
    tpu.vector_store %arg7[%swap3A_20, %swap3A_21], %dot_general3A_19 {strides = array<i32>} : memref<1000x16xf32, #tpu.memory_space<vmem>>, vector<1000x16xf32>,
    %get3A_23 = arith.constant 0 : index
    %get3A_24 = arith.constant 0 : index
    %get3A_25 = vector.load %arg5[%get3A_23, %get3A_24] : memref<64x16xf32, #tpu.memory_space<vmem>>, vector<64x16xf32>
    %dot_general3A_26 = arith.constant dense<0.000000e+00> : vector<1000x16xf32>
    %dot_general3A_27 = tpu.matmul %select_n3A, %get3A_25, %dot_general3A_26 {dimension_numbers = #tpu.dot_dimension_numbers<[1], [0], [0], [1], [0, 0, 1, 1], [], []>, transpose_lhs_hint = false} : vector<1000x64xf32>, vector<64x16xf32>, vector<1000x16xf32> -> vector<1000x16xf32>
    %swap3A_28 = arith.constant 0 : index
    %swap3A_29 = arith.constant 0 : index
    %swap3A_30 = vector.load %arg8[%swap3A_28, %swap3A_29] : memref<1000x16xf32, #tpu.memory_space<vmem>>, vector<1000x16xf32>
    tpu.vector_store %arg8[%swap3A_28, %swap3A_29], %dot_general3A_27 {strides = array<i32>} : memref<1000x16xf32, #tpu.memory_space<vmem>>, vector<1000x16xf32>,
    return
  }
  func.func @transform_0(%arg0: i32) -> (i32, i32) {
    %c0_i32 = arith.constant 0 : i32
    %c0_i32_0 = arith.constant 0 : i32
    return %arg0, %c0_i32 : i32, i32
  }
  func.func @transform_1(%arg0: i32) -> (i32, i32) {
    %c0_i32 = arith.constant 0 : i32
    %c0_i32_0 = arith.constant 0 : i32
    return %arg0, %c0_i32 : i32, i32
  }
  func.func @transform_2(%arg0: i32) -> (i32, i32) {
    %c0_i32 = arith.constant 0 : i32
    %c0_i32_0 = arith.constant 0 : i32
    %c0_i32_1 = arith.constant 0 : i32
    return %c0_i32, %c0_i32_0 : i32, i32
  }
  func.func @transform_3(%arg0: i32) -> (i32, i32) {
    %c0_i32 = arith.constant 0 : i32
    %c0_i32_0 = arith.constant 0 : i32
    %c0_i32_1 = arith.constant 0 : i32
    return %c0_i32, %c0_i32_0 : i32, i32
  }
  func.func @transform_4(%arg0: i32) -> (i32, i32) {
    %c0_i32 = arith.constant 0 : i32
    %c0_i32_0 = arith.constant 0 : i32
    %c0_i32_1 = arith.constant 0 : i32
    return %c0_i32, %c0_i32_0 : i32, i32
  }
  func.func @transform_5(%arg0: i32) -> (i32, i32) {
    %c0_i32 = arith.constant 0 : i32
    %c0_i32_0 = arith.constant 0 : i32
    return %arg0, %c0_i32 : i32, i32
  }
  func.func @transform_6(%arg0: i32) -> (i32, i32) {
    %c0_i32 = arith.constant 0 : i32
    %c0_i32_0 = arith.constant 0 : i32
    return %arg0, %c0_i32 : i32, i32
  }
  func.func @transform_7(%arg0: i32) -> (i32, i32) {
    %c0_i32 = arith.constant 0 : i32
    %c0_i32_0 = arith.constant 0 : i32
    return %arg0, %c0_i32 : i32, i32
  }
}

module attributes {stable_mosaic.version = 14 : i64} {
  func.func @tc3_body(%arg0: i32, %arg1: memref<1000x16xf32, #tpu.memory_space<vmem>>, %arg2: memref<1000x16xf32, #tpu.memory_space<vmem>>, %arg3: memref<1000x7xf32, #tpu.memory_space<vmem>>) attributes {dimension_semantics = [#tpu.dimension_semantics<arbitrary>], iteration_bounds = array<i64: 10>, scalar_prefetch = 0 : i64, scratch_operands = 0 : i64, tpu.core_type = #tpu.core_type<tc>, window_params = [{transform_indices = @transform_0, window_bounds = array<i64: 1000, 16>}, {transform_indices = @transform_1, window_bounds = array<i64: 1000, 16>}, {transform_indices = @transform_2, window_bounds = array<i64: 1000, 7>}]} {
    %get3A = arith.constant 0 : index
    %get3A_0 = arith.constant 0 : index
    %get3A_1 = vector.load %arg1[%get3A, %get3A_0] : memref<1000x16xf32, #tpu.memory_space<vmem>>, vector<1000x16xf32>
    %get3A_2 = arith.constant 0 : index
    %get3A_3 = arith.constant 0 : index
    %get3A_4 = vector.load %arg2[%get3A_2, %get3A_3] : memref<1000x16xf32, #tpu.memory_space<vmem>>, vector<1000x16xf32>
    %add3A = arith.addf %get3A_1, %get3A_4 : vector<1000x16xf32>
    %slice3A = vector.extract_strided_slice %add3A {offsets = [0, 0], sizes = [1000, 7], strides = [1, 1]} : vector<1000x16xf32> to vector<1000x7xf32>
    %gt3A = arith.constant 0.000000e+00 : f32
    %gt3A_5 = vector.broadcast %gt3A : f32 to vector<1000x7xf32>
    %gt3A_6 = arith.cmpf ogt, %slice3A, %gt3A_5 : vector<1000x7xf32>
    %exp3A = math.exp %slice3A : vector<1000x7xf32>
    %sub3A = arith.constant 1.000000e+00 : f32
    %sub3A_7 = vector.broadcast %sub3A : f32 to vector<1000x7xf32>
    %sub3A_8 = arith.subf %exp3A, %sub3A_7 : vector<1000x7xf32>
    %select_n3A = arith.select %gt3A_6, %slice3A, %sub3A_8 : vector<1000x7xi1>, vector<1000x7xf32>
    %reduce_max3A = arith.constant dense<0xFF800000> : vector<1000xf32>
    %reduce_max3A_9 = vector.multi_reduction <maximumf>, %select_n3A, %reduce_max3A [1] : vector<1000x7xf32> to vector<1000xf32>
    %broadcast_in_dim3A = vector.shape_cast %reduce_max3A_9 : vector<1000xf32> to vector<1000x1xf32>
    %sub3A_10 = vector.broadcast %broadcast_in_dim3A : vector<1000x1xf32> to vector<1000x7xf32>
    %sub3A_11 = arith.subf %select_n3A, %sub3A_10 : vector<1000x7xf32>
    %exp3A_12 = math.exp %sub3A_11 : vector<1000x7xf32>
    %reduce_sum3A = arith.constant dense<0.000000e+00> : vector<1000xf32>
    %reduce_sum3A_13 = vector.multi_reduction <add>, %exp3A_12, %reduce_sum3A [1] : vector<1000x7xf32> to vector<1000xf32>
    %broadcast_in_dim3A_14 = vector.shape_cast %reduce_sum3A_13 : vector<1000xf32> to vector<1000x1xf32>
    %log3A = math.log %broadcast_in_dim3A_14 : vector<1000x1xf32>
    %sub3A_15 = vector.broadcast %log3A : vector<1000x1xf32> to vector<1000x7xf32>
    %sub3A_16 = arith.subf %sub3A_11, %sub3A_15 : vector<1000x7xf32>
    %swap3A = arith.constant 0 : index
    %swap3A_17 = arith.constant 0 : index
    %swap3A_18 = vector.load %arg3[%swap3A, %swap3A_17] : memref<1000x7xf32, #tpu.memory_space<vmem>>, vector<1000x7xf32>
    tpu.vector_store %arg3[%swap3A, %swap3A_17], %sub3A_16 {strides = array<i32>} : memref<1000x7xf32, #tpu.memory_space<vmem>>, vector<1000x7xf32>,
    return
  }
  func.func @transform_0(%arg0: i32) -> (i32, i32) {
    %c0_i32 = arith.constant 0 : i32
    %c0_i32_0 = arith.constant 0 : i32
    return %arg0, %c0_i32 : i32, i32
  }
  func.func @transform_1(%arg0: i32) -> (i32, i32) {
    %c0_i32 = arith.constant 0 : i32
    %c0_i32_0 = arith.constant 0 : i32
    return %arg0, %c0_i32 : i32, i32
  }
  func.func @transform_2(%arg0: i32) -> (i32, i32) {
    %c0_i32 = arith.constant 0 : i32
    %c0_i32_0 = arith.constant 0 : i32
    return %arg0, %c0_i32 : i32, i32
  }
}

</mosaic_0001>

<sc_bundles>
// kernel: kernel.12.cloned.1.call-start
scs
__scs_entry_jumppad:
0x0: {  	(pc) =	sbr.rel $0x88, $3  }
0x1: {  	(tag) =	ssettag $0x0;
	lr =	simm.s32 $0x1  }
0x2: {  	[smem:$0x3F99] =	sst lr;
	_ =	strace $0xD0000000  }
0x3: {  	_ = 	snop  }
0x4: {  	_ = 	snop  }
0x5: {  	_ = 	snop  }
0x6: {  	_ = 	snop  }
0x7: {  	_ = 	snop  }
__scs_overlays_trampoline_lowered:
0x8: {  	[smem:$0x3FA8] =	sst s0  }
0x9: {  	[smem:$0x3FA9] =	sst s1  }
0xa: {  	[smem:$0x3FAA] =	sst s2  }
0xb: {  	[smem:$0x3FAB] =	sst s3  }
0xc: {  	[smem:$0x3FAC] =	sst s4  }
0xd: {  	[smem:$0x3FAD] =	sst s5  }
0xe: {  	[smem:$0x3FAE] =	sst s6  }
0xf: {  	[smem:$0x3FAF] =	sst s7  }
0x10: {  	[smem:$0x3FB0] =	sst s8  }
0x11: {  	[smem:$0x3FB1] =	sst s9;
	s0 =	simm.s32 @!p0 $0x0  }
0x12: {  	s1 =	sld [smem:$0x3F97];
	s0 =	simm.s32 @p0 $0x1  }
0x13: {  	[smem:$0x3FB2] =	sst s0;
	s0 =	simm.s32 @!p1 $0x0  }
0x14: {  	s2 =	sld [smem:$0x3F96];
	s0 =	simm.s32 @p1 $0x1  }
0x15: {  	[smem:$0x3FB3] =	sst s0;
	s0 =	simm.s32 @!p2 $0x0  }
0x16: {  	s3 =	sld [smem:$0x3FDB];
	s0 =	simm.s32 @p2 $0x1  }
0x17: {  	s4 =	simm.s32 $0x1BF5;
	[smem:$0x3FB5] =	sst s0  }
0x18: {  	s0 =	sld [smem:$0x3F98];
	_ =	swait.ge [sflag:s4], $0x0  }
0x19: {  	s7 =	sld [smem:$0x3F99]  }
0x1a: {  	s8 =	sadd.s32 $0xFFFFE003, lr  }
0x1b: {  	s9 =	sadd.s32 $0xFFFFFEF7, lr;
	s5 =	simm.s32 $0xFFFFFFFF;
	p2 =	slt.u32 s8, $0xFFFFF086  }
0x1c: {  	p1 =	slt.u32 s9, $0xF7A;
	s5 =	simm.s32 @!p2 $0x0  }
0x1d: {  	s5 =	simm.s32 @p1 $0x1;
	p0 =	seq.s32 s7, s2  }
0x1e: {  	s7 =	smul.u32 @!p0 $0xF7A, s2;
	p2 =	seq.s32 @!p0 s5, $0x0  }
0x1f: {  	s9 =	smul.u32 $0xF7A, s1;
	s8 =	simm.s32 @!p0 $0x1BF5;
	p2 =	por !p2, p0  }
0x20: {  	[sflag:s8] =	ssyncset.s32 @!p0 $0xFFFFF086;
	s6 =	sadd.s32 @!p0 s3, s7;
	s7 =	simm.s32 @!p0 $0x108  }
0x21: {  	s3 =	sadd.s32 s3, s9;
	s6 =	sadd.s32 @!p0 $0x88, s6;
	s7 =	simm.s32 @p2 $0x1082  }
0x22: {  	[simem:s7], [sflag:s8] =	dma.local @!p0 [hbm:s6], $0xF7A  }
0x23: {  	s9 =	sor.u32 $0xD0000000, s2;
	s6 =	simm.s32 $0x108;
	_ =	swait.ge @!p0 [sflag:s8], $0x0  }
0x24: {  	s3 =	sadd.s32 $0x88, s3;
	s6 =	simm.s32 @!p1 $0x1082;
	[sflag:s4] =	ssyncset.s32 $0xFFFFF086  }
0x25: {  	[simem:s6], [sflag:s4] =	dma.local [hbm:s3], $0xF7A  }
0x26: {  	[smem:$0x3F99] =	sst s1;
	(tag) =	ssettag s2;
	_ =	strace s9  }
0x27: {  	s1 =	sld [smem:$0x3FA9]  }
0x28: {  	s2 =	sld [smem:$0x3FAA]  }
0x29: {  	s4 =	sld [smem:$0x3FAC]  }
0x2a: {  	p0 =	seq.s32 s5, $0x0;
	s5 =	sld [smem:$0x3FAD]  }
0x2b: {  	s6 =	sld [smem:$0x3FAE]  }
0x2c: {  	s7 =	sld [smem:$0x3FAF]  }
0x2d: {  	s3 =	simm.s32 $0x108;
	s8 =	sld [smem:$0x3FB0]  }
0x2e: {  	s3 =	simm.s32 @!p0 $0x1082;
	s9 =	sld [smem:$0x3FB1]  }
0x2f: {  	lr =	sadd.s32 s0, s3;
	s0 =	sld [smem:$0x3FA8]  }
0x30: {  	s3 =	sld [smem:$0x3FAB]  }
0x31: {  	[smem:$0x3FB4] =	sst s10  }
0x32: {  	s10 =	sld [smem:$0x3FB2];
	_ =	sdelay $0x3  }
0x33: {  	p0 =	seq.s32 s10, $0x1;
	s10 =	sld [smem:$0x3FB4];
	_ =	sdelay $0x3  }
0x34: {  	[smem:$0x3FB4] =	sst s10  }
0x35: {  	s10 =	sld [smem:$0x3FB3];
	_ =	sdelay $0x3  }
0x36: {  	p1 =	seq.s32 s10, $0x1;
	s10 =	sld [smem:$0x3FB4];
	_ =	sdelay $0x3  }
0x37: {  	[smem:$0x3FB4] =	sst s10  }
0x38: {  	s10 =	sld [smem:$0x3FB5]  }
0x39: {  	_ = 	snop;
	(pc) =	sbr.ind lr, $3  }
0x3a: {  	_ = 	snop  }
0x3b: {  	_ = 	snop  }
0x3c: {  	p2 =	seq.s32 s10, $0x1;
	s10 =	sld [smem:$0x3FB4]  }
0x3d: {  	_ =	shalt  }
0x3e: {  	_ =	shalt  }
0x3f: {  	_ =	shalt  }
0x40: {  	_ =	shalt  }
0x41: {  	_ =	shalt  }
0x42: {  	_ =	shalt  }
0x43: {  	_ =	shalt  }
0x44: {  	_ =	shalt  }
0x45: {  	_ =	shalt  }
0x46: {  	_ =	shalt  }
0x47: {  	_ =	shalt  }
0x48: {  	_ =	shalt  }
0x49: {  	_ =	shalt  }
0x4a: {  	_ =	shalt  }
0x4b: {  	_ =	shalt  }
0x4c: {  	_ =	shalt  }
0x4d: {  	_ =	shalt  }
0x4e: {  	_ =	shalt  }
0x4f: {  	_ =	shalt  }
0x50: {  	_ =	shalt  }
0x51: {  	_ =	shalt  }
0x52: {  	_ =	shalt  }
0x53: {  	_ =	shalt  }
0x54: {  	_ =	shalt  }
0x55: {  	_ =	shalt  }
0x56: {  	_ =	shalt  }
0x57: {  	_ =	shalt  }
0x58: {  	_ =	shalt  }
0x59: {  	_ =	shalt  }
0x5a: {  	_ =	shalt  }
0x5b: {  	_ =	shalt  }
0x5c: {  	_ =	shalt  }
0x5d: {  	_ =	shalt  }
0x5e: {  	_ =	shalt  }
0x5f: {  	_ =	shalt  }
0x60: {  	_ =	shalt  }
0x61: {  	_ =	shalt  }
0x62: {  	_ =	shalt  }
0x63: {  	_ =	shalt  }
0x64: {  	_ =	shalt  }
0x65: {  	_ =	shalt  }
0x66: {  	_ =	shalt  }
0x67: {  	_ =	shalt  }
0x68: {  	_ =	shalt  }
0x69: {  	_ =	shalt  }
0x6a: {  	_ =	shalt  }
0x6b: {  	_ =	shalt  }
0x6c: {  	_ =	shalt  }
0x6d: {  	_ =	shalt  }
0x6e: {  	_ =	shalt  }
0x6f: {  	_ =	shalt  }
0x70: {  	_ =	shalt  }
0x71: {  	_ =	shalt  }
0x72: {  	_ =	shalt  }
0x73: {  	_ =	shalt  }
0x74: {  	_ =	shalt  }
0x75: {  	_ =	shalt  }
0x76: {  	_ =	shalt  }
0x77: {  	_ =	shalt  }
0x78: {  	_ =	shalt  }
0x79: {  	_ =	shalt  }
0x7a: {  	_ =	shalt  }
0x7b: {  	_ =	shalt  }
0x7c: {  	_ =	shalt  }
0x7d: {  	_ =	shalt  }
0x7e: {  	_ =	shalt  }
0x7f: {  	_ =	shalt  }
0x80: {  	_ =	shalt  }
0x81: {  	_ =	shalt  }
0x82: {  	_ =	shalt  }
0x83: {  	_ =	shalt  }
0x84: {  	_ =	shalt  }
0x85: {  	_ =	shalt  }
0x86: {  	_ =	shalt  }
0x87: {  	_ =	shalt  }
.Lfunc_end0:
.L_simem_size_0:
called_computation.1_lowered:
.L_overlay_start_0:
0x88: {  	s2 =	sld [smem:$0x3FD9]  }
0x89: {  	s3 =	sld [smem:$0x3FFE];
	_ =	sdelay $0x1  }
0x8a: {  	s1 =	srdreg.scid  }
0x8b: {  	s0 =	sand.u32 $0x1, s1  }
0x8c: {  	s16 =	sshll.u32 s0, $0xA;
	s2 =	sadd.s32 s3, s2  }
0x8d: {  	s2 =	sadd.s32 s2, s16  }
0x8e: {  	[smem:$0x3FC0] =	sst s2  }
0x8f: {  	_ = 	snop  }
0x90: {  	(tm) =	ssettm $0x1  }
0x91: {  	s17 =	sld [smem:$0x3FFB];
	_ =	sdelay $0x3  }
0x92: {  	_ =	strace s17  }
0x93: {  	s2 =	sld [smem:$0x3FFC];
	_ =	sdelay $0x3  }
0x94: {  	_ =	strace s2  }
0x95: {  	s2 =	sld [smem:$0x3FFD];
	_ =	sdelay $0x3  }
0x96: {  	_ =	strace s2  }
0x97: {  	_ =	strace $0x8FFFFFFF  }
0x98: {  	s18 =	sld [smem:$0x3FDB];
	_ =	sdelay $0x1  }
0x99: {  	s19 =	simm.s32 $_scs_section_size  }
0x9a: {  	s4 =	simm.s32 $_size__tile_overlayer_lowered;
	s5 =	simm.s32 $_tile_overlayer_lowered  }
0x9b: {  	s22 =	simm.s32 $0x1BFF;
	s21 =	sshll.u32 s5, $0x1;
	s2 =	sadd.s32 s19, s18  }
0x9c: {  	s6 =	simm.s32 $0x0;
	s20 =	sshll.u32 s4, $0x1;
	s4 =	sadd.s32 s21, s2  }
0x9d: {  	[timem:s6], [sflag:s22] =	dma.local [hbm:s4], s20  }
0x9e: {  	_ =	swait.ge [sflag:s22], s20  }
0x9f: {  	s3 =	ssub.s32 $0x0, s20;
	[sflag:s22] =	ssyncset.done $0x0  }
0xa0: {  	[sflag:s22] =	ssyncadd.s32 s3;
	_ =	sdelay $0x1  }
0xa1: {  	s23 =	simm.s32 $0x1B8B  }
0xa2: {  	_ =	swait.ge [sflag:s23], $0x1  }
0xa3: {  	[sflag:s23] =	ssyncset.done $0x0  }
0xa4: {  	s25 =	simm.s32 $0x1B8E;
	s24 =	sld [smem:$0x3FFE];
	[sflag:s23] =	ssyncadd.s32 $0xFFFFFFFF  }
0xa5: {  	s26 =	simm.s32 $execute0_lowered;
	[smem:$0x3FD2] =	sst s25  }
0xa6: {  	s4 =	sshll.u32 s26, $0x1;
	_ =	strace $0x80000049;
	[dreg:$0x1] =	wrdreg $0xFFFFFFFF  }
0xa7: {  	s28 =	simm.s32 $_size_execute0_lowered;
	s2 =	sadd.s32 s2, s4;
	[dreg:$0x0] =	wrdreg $0x0  }
0xa8: {  	s4 =	sshll.u32 s28, $0x1;
	[dreg:$0x2] =	wrdreg s2  }
0xa9: {  	[dreg:$0x3] =	wrdreg s4  }
0xaa: {  	[dreg:$0x4] =	wrdreg $0xC0  }
0xab: {  	_ =	task [dreg:s6], $0x5FFFF  }
0xac: {  	[dreg:$0x1] =	wrdreg $0xFFFFFFFF  }
0xad: {  	[dreg:$0x0] =	wrdreg $0x60  }
0xae: {  	[dreg:$0x2] =	wrdreg s24  }
0xaf: {  	[dreg:$0x3] =	wrdreg $0x116200  }
0xb0: {  	[dreg:$0x4] =	wrdreg $0x9  }
0xb1: {  	_ =	task.clear_ibuf [dreg:s6], $0x5FFFF;
	_ =	strace $0x90000049  }
0xb2: {  	s29 =	simm.s32 $0x9;
	_ =	strace $0x8000004B  }
0xb3: {  	_ =	swait.ge [sflag:s29], $0x1  }
0xb4: {  	[sflag:s29] =	ssyncadd.s32 $0xFFFFFFFF  }
0xb5: {  	_ =	strace $0x9000004B  }
0xb6: {  	_ =	sfence  }
0xb7: {  	s30 =	sld [smem:$0x0];
	_ =	sdelay $0x2  }
0xb8: {  	s31 =	sshll.u32 s1, $0xD;
	s1 =	sshrl.u32 s1, $0x2  }
0xb9: {  	s3 =	sand.u32 $0x4000, s31;
	s1 =	sadd.s32 s1, s30  }
0xba: {  	s0 =	sor.u32 s3, s0;
	s1 =	sshll.u32 s1, $0x11  }
0xbb: {  	s0 =	sor.u32 s1, s0  }
0xbc: {  	s0 =	sadd.s32 $0x8F2B, s0  }
0xbd: {  	[sflag:s0] =	ssyncadd.remote.s32 $0x1  }
0xbe: {  	_ =	sfence.sel $0xFFFF  }
0xbf: {  	[dreg:$0x0] =	wrdreg $0xFFFFFFFF;
	(pc) =	sbr.abs _section_cstart, $3  }
0xc0: {  	[dreg:$0x1] =	wrdreg $0xFFFFFFFF  }
0xc1: {  	_ =	task.clear_ibuf [dreg:s6], $0x2FFFF;
	_ =	strace $0x9FFFFFFF  }
0xc2: {  	(tm) =	ssettm $0x7FFFFFFF  }
0xc3: {  	_ =	shalt  }
tec
execute0_lowered:
.L_overlay_start_1:
0x0: {  	(tag) =	ssettag $0x1  }
0x1: {  	s10 =	rddreg [dreg:$0x0]  }
0x2: {  	s1 =	rddreg [dreg:$0x1]  }
0x3: {  	s0 =	rddreg [dreg:$0x2];
	s3 =	simm.s32 $0x0;
	s2 =	stileid.u32  }
0x4: {  	s8 =	srdreg.scid;
	s17 =	simm.s32 $0xEE800;
	s18 =	simm.s32 $0x320  }
0x5: {  	s19 =	simm.s32 $0x6720;
	s20 =	simm.s32 $0x8020;
	s21 =	simm.s32 $0x9920  }
0x6: {  	s22 =	simm.s32 $0xB220;
	[smem:$0x7FF] =	sst s3;
	s4 =	sadd.s32 $0xC7200, s10  }
0x7: {  	s5 =	sadd.s32 $0x20E00, s10;
	s11 =	smul.u32 $0x9E00, s2;
	s6 =	sadd.s32 $0xBD200, s10  }
0x8: {  	s7 =	sadd.s32 $0xC2200, s10;
	s12 =	sand.u32 $0x1, s8;
	s8 =	sadd.s32 $0xD000, s10  }
0x9: {  	s9 =	sadd.s32 $0x3200, s10;
	s30 =	sshll.u32 s2, $0x6;
	_ =	strace $0x8000004A  }
0xa: {  	s14 =	ssub.s32 $0x2, s12;
	s31 =	sshll.u32 s12, $0x4;
	p0 =	seq.s32 s12, $0x1  }
0xb: {  	s13 =	sshrl.u32 s11, $0x3;
	s28 =	sshrl.u32 s14, $0x1;
	s16 =	sadd.s32 s11, s1  }
0xc: {  	s11 =	sor.u32 $0x1C01, s30;
	s17 =	simm.s32 @!p0 $0x102400;
	s15 =	sadd.s32 s13, s10  }
0xd: {  	v0 =	vlaneseq.u32;
	s29 =	ssub.s32 s14, s28;
	s14 =	sor.u32 s2, s31;
	s10 =	sadd.s32 $0xDAC00, s15  }
0xe: {  	v0 =	vshrl.u32 v0, $0x3;
	s12 =	smul.u32 $0x2710, s14;
	s13 =	smax.u32 s29, $0x1;
	s14 =	sadd.s32 s17, s15  }
0xf: {  	v1 =	vor.u32 $0x2, v0;
	v2 =	vor.u32 $0x4, v0;
	v3 =	vor.u32 $0x6, v0;
	s15 =	sshrl.u32 s16, $0x3;
	s16 =	simm.s32 $0x1;
	s17 =	simm.s32 $0x190  }
.LBB2_1:
0x10: {  	[spmem:s15], [sflag:s11] =	dma.local [hbm:s10], $0x13C0  }
0x11: {  	_ =	swait.ge [sflag:s16], $0x13C0  }
0x12: {  	[sflag:s16] =	ssyncset.done $0x0  }
0x13: {  	[sflag:s16] =	ssyncadd.s32 $0xFFFFEC40  }
0x14: {  	s23 =	simm.s32 $0x0;
	[bflag:$0x0] =	sbarrier.arrive $0xFFFF  }
.LBB2_2:
0x15: {  	s24 =	smul.u32 $0x190, s23;
	_ =	sdelay $0x1  }
0x16: {  	s24 =	sadd.s32 s12, s24  }
0x17: {  	s25 =	sshrl.u32 s24, $0x3  }
0x18: {  	s28 =	simm.s32 $0x0;
	s26 =	sadd.s32 s8, s25  }
0x19: {  	[tilespmem:s28], [sflag:$0x1] =	stream.linear.gather [hbm4b:s26+s28], $0x190, $0x38;
	[tilespmem:$0x1B420] =	vst v63  }
0x1a: {  	_ =	swait.ge [sflag:s16], $0x190  }
0x1b: {  	[sflag:s16] =	ssyncset.done $0x0  }
0x1c: {  	s25 =	sadd.s32 s9, s25;
	[sflag:s16] =	ssyncadd.s32 $0xFFFFFE70  }
0x1d: {  	[tilespmem:s17], [sflag:$0x1] =	stream.linear.gather [hbm4b:s25+s28], $0x190, $0x38;
	[tilespmem:$0x1B420] =	vst v63  }
0x1e: {  	_ =	swait.ge [sflag:s16], $0x190  }
0x1f: {  	[sflag:s16] =	ssyncset.done $0x0  }
0x20: {  	[sflag:s16] =	ssyncadd.s32 $0xFFFFFE70  }
0x21: {  	[tilespmem:s18], [sflag:$0x1] =	stream.indirect.gather [hbm4b:s4+s17], $0x40, s28, s17, $0xb8;
	[tilespmem:$0x1B420] =	vst v63  }
0x22: {  	_ =	swait.ge [sflag:s16], $0x6400  }
0x23: {  	s24 =	sshll.u32 s24, $0x1;
	[sflag:s16] =	ssyncset.done $0x0  }
0x24: {  	s24 =	sadd.s32 s5, s24;
	[sflag:s16] =	ssyncadd.s32 $0xFFFF9C00  }
0x25: {  	[tilespmem:s19], [sflag:$0x1] =	stream.linear.gather [hbm4b:s24+s28], $0x1900, $0x38;
	[tilespmem:$0x1B420] =	vst v63  }
0x26: {  	_ =	swait.ge [sflag:s16], $0x1900  }
0x27: {  	[sflag:s16] =	ssyncset.done $0x0  }
0x28: {  	[sflag:s16] =	ssyncadd.s32 $0xFFFFE700  }
0x29: {  	[tilespmem:s20], [sflag:$0x1] =	stream.indirect.gather [hbm4b:s6+s17], $0x10, s17, s17, $0xb8;
	[tilespmem:$0x1B420] =	vst v63  }
0x2a: {  	_ =	swait.ge [sflag:s16], $0x1900  }
0x2b: {  	[sflag:s16] =	ssyncset.done $0x0  }
0x2c: {  	[sflag:s16] =	ssyncadd.s32 $0xFFFFE700  }
0x2d: {  	[tilespmem:s21], [sflag:$0x1] =	stream.indirect.gather [hbm4b:s7+s17], $0x10, s17, s17, $0xb8;
	[tilespmem:$0x1B420] =	vst v63  }
0x2e: {  	_ =	swait.ge [sflag:s16], $0x1900  }
0x2f: {  	[sflag:s16] =	ssyncset.done $0x0  }
0x30: {  	s31 =	simm.s32 $0x0;
	[sflag:s16] =	ssyncadd.s32 $0xFFFFE700  }
0x31: {  	v4 =	vld [tilespmem:s31+$0x8020]  }
0x32: {  	v5 =	vld [tilespmem:s31+$0x9920];
	_ =	sdelay $0x4  }
0x33: {  	v4 =	vadd.f32 v5, v4;
	_ =	sdelay $0x1  }
0x34: {  	(erf) = vrcp.f32 v4;
	_ =	sdelay $0x4  }
0x35: {  	v4 =	vld [tilespmem:s31+$0x6720];
	_ =	sdelay $0x2  }
0x36: {  	s24 =	simm.s32 $0x340  }
0x37: {  	v5 =	vld [tilespmem:s24+$0xFFFFFFE0];
	v6 =	vpop (erf)  }
0x38: {  	v4 =	vmul.f32 v6, v4;
	_ =	sdelay $0x1  }
0x39: {  	v6 =	vperm.xlane v4, v0;
	_ =	sdelay $0x1  }
0x3a: {  	v5 =	vmul.f32 v5, v6  }
0x3b: {  	s25 =	simm.s32 $0xB240  }
0x3c: {  	[tilespmem:s25+$0xFFFFFFE0] =	vst v5  }
0x3d: {  	v5 =	vld [tilespmem:s24+$0xFFFFFFF0];
	_ =	sdelay $0x2  }
0x3e: {  	v6 =	vperm.xlane v4, v1;
	_ =	sdelay $0x1  }
0x3f: {  	v5 =	vmul.f32 v5, v6;
	_ =	sdelay $0x1  }
0x40: {  	[tilespmem:s25+$0xFFFFFFF0] =	vst v5  }
0x41: {  	v5 =	vld [tilespmem:s24+$0x0];
	_ =	sdelay $0x2  }
0x42: {  	v6 =	vperm.xlane v4, v2;
	_ =	sdelay $0x1  }
0x43: {  	v5 =	vmul.f32 v5, v6;
	_ =	sdelay $0x1  }
0x44: {  	[tilespmem:s25+$0x0] =	vst v5  }
0x45: {  	v5 =	vld [tilespmem:s24+$0x10];
	_ =	sdelay $0x2  }
0x46: {  	v4 =	vperm.xlane v4, v3;
	_ =	sdelay $0x1  }
0x47: {  	s26 =	simm.s32 $0x40;
	s28 =	simm.s32 $0xB240;
	v4 =	vmul.f32 v5, v4  }
.LBB2_3:
0x48: {  	p0 =	sne.s32 s26, $0x63C0;
	s25 =	sadd.s32 $0x40, s25;
	s24 =	sadd.s32 $0x40, s24  }
0x49: {  	s29 =	sshra.s32 s26, $0x2;
	s26 =	sadd.s32 $0x40, s26;
	[tilespmem:s28+$0x10] =	vst v4;
	s28 =	smov.u32 s25  }
0x4a: {  	v4 =	vld [tilespmem:s29+$0x8020]  }
0x4b: {  	v5 =	vld [tilespmem:s29+$0x9920];
	_ =	sdelay $0x4  }
0x4c: {  	v4 =	vadd.f32 v5, v4;
	_ =	sdelay $0x1  }
0x4d: {  	(erf) = vrcp.f32 v4;
	_ =	sdelay $0x3  }
0x4e: {  	v4 =	vld [tilespmem:s29+$0x6720];
	_ =	sdelay $0x3  }
0x4f: {  	v5 =	vld [tilespmem:s24+$0xFFFFFFE0]  }
0x50: {  	v6 =	vpop (erf)  }
0x51: {  	v4 =	vmul.f32 v6, v4;
	_ =	sdelay $0x1  }
0x52: {  	v6 =	vperm.xlane v4, v0;
	_ =	sdelay $0x1  }
0x53: {  	v5 =	vmul.f32 v5, v6;
	_ =	sdelay $0x1  }
0x54: {  	[tilespmem:s25+$0xFFFFFFE0] =	vst v5  }
0x55: {  	v5 =	vld [tilespmem:s24+$0xFFFFFFF0];
	_ =	sdelay $0x1  }
0x56: {  	v6 =	vperm.xlane v4, v1;
	_ =	sdelay $0x2  }
0x57: {  	v5 =	vmul.f32 v5, v6;
	_ =	sdelay $0x1  }
0x58: {  	[tilespmem:s25+$0xFFFFFFF0] =	vst v5  }
0x59: {  	v5 =	vld [tilespmem:s24+$0x0];
	_ =	sdelay $0x1  }
0x5a: {  	v6 =	vperm.xlane v4, v2;
	_ =	sdelay $0x2  }
0x5b: {  	v5 =	vmul.f32 v5, v6;
	_ =	sdelay $0x1  }
0x5c: {  	[tilespmem:s25+$0x0] =	vst v5  }
0x5d: {  	v5 =	vld [tilespmem:s24+$0x10]  }
.Ltmp0:
0x5e: {  	(pc) =	sbr.rel @p0 .LBB2_3-.Ltmp0, $2  }
0x5f: {  	v4 =	vperm.xlane v4, v3;
	_ =	sdelay $0x2  }
0x60: {  	v4 =	vmul.f32 v5, v4  }
0x61: {  	s23 =	sadd.s32 $0x1, s23  }
0x62: {  	p0 =	sne.s32 s23, $0x19  }
.Ltmp1:
0x63: {  	[tilespmem:s28+$0x10] =	vst v4;
	(pc) =	sbr.rel @p0 .LBB2_2-.Ltmp1, $4  }
0x64: {  	[spmem:s1] =	stream.indirect.scatter.add.f32 [tilespmem:s22], [sflag:$0x1], $0x40, s17, s17, $0xb8;
	[tilespmem:$0x1B420] =	vst v63  }
0x65: {  	_ =	swait.ge [sflag:s16], $0x6400  }
0x66: {  	[sflag:s16] =	ssyncset.done $0x0  }
0x67: {  	[sflag:s16] =	ssyncadd.s32 $0xFFFF9C00  }
0x68: {  	s3 =	sadd.s32 $0x1, s3  }
0x69: {  	p0 =	sne.s32 s3, s13  }
.Ltmp2:
0x6a: {  	[bflag:$0x0] =	sbarrier.arrive $0xFFFF;
	(pc) =	sbr.rel @p0 .LBB2_1-.Ltmp2, $4  }
0x6b: {  	[hbm:s14], [sflag:s11] =	dma.local [spmem:s15], $0x13C0  }
0x6c: {  	_ =	swait.ge [sflag:s16], $0x13C0  }
0x6d: {  	[sflag:s16] =	ssyncset.done $0x0  }
0x6e: {  	[sflag:s16] =	ssyncadd.s32 $0xFFFFEC40  }
0x6f: {  	_ =	sfence.sel $0x180000  }
0x70: {  	[bflag:$0x0] =	sbarrier.arrive $0xFFFF  }
0x71: {  	p0 =	sne.s32 s2, $0x0;
	_ =	strace $0x9000004A  }
0x72: {  	s0 =	sadd.s32 @!p0 $0x100000, s0;
	[bflag:$0x2] =	sbarrier.arrive $0xFFFF  }
0x73: {  	[sflag:s0] =	ssyncadd.tile.s32 @!p0 $0x1;
	_ =	shalt  }
.Lfunc_end2:
_tile_overlayer_lowered:
.L_overlay_start_2:
0x74: {  	(tag) =	ssettag $0x2  }
0x75: {  	s0 =	rddreg [dreg:$0x0];
	s2 =	stileid.u32  }
0x76: {  	s1 =	rddreg [dreg:$0x1];
	p0 =	sne.s32 s2, $0x0  }
0x77: {  	s3 =	rddreg [dreg:$0x2];
	[bflag:$0x3] =	sbarrier.arrive $0xFFFF;
	s2 =	simm.s32 @!p0 $0x1C01  }
0x78: {  	[timem:s3], [sflag:s2] =	dma.local @!p0 [hbm:s0], s1  }
0x79: {  	s0 =	simm.s32 @!p0 $0x1  }
0x7a: {  	_ =	swait.ge @!p0 [sflag:s0], s1  }
0x7b: {  	s1 =	ssub.s32 @!p0 $0x0, s1;
	[sflag:s0] =	ssyncset.done @!p0 $0x0  }
0x7c: {  	[sflag:s0] =	ssyncadd.s32 @!p0 s1  }
0x7d: {  	[bflag:$0x3] =	sbarrier.arrive $0xFFFF  }
0x7e: {  	_ =	shalt  }

// kernel: kernel.15.cloned.1.call-start
scs
__scs_entry_jumppad:
0x0: {  	(pc) =	sbr.rel $0x88, $3  }
0x1: {  	(tag) =	ssettag $0x0;
	lr =	simm.s32 $0x1  }
0x2: {  	[smem:$0x3F99] =	sst lr;
	_ =	strace $0xD0000000  }
0x3: {  	_ = 	snop  }
0x4: {  	_ = 	snop  }
0x5: {  	_ = 	snop  }
0x6: {  	_ = 	snop  }
0x7: {  	_ = 	snop  }
__scs_overlays_trampoline_lowered:
0x8: {  	[smem:$0x3FA8] =	sst s0  }
0x9: {  	[smem:$0x3FA9] =	sst s1  }
0xa: {  	[smem:$0x3FAA] =	sst s2  }
0xb: {  	[smem:$0x3FAB] =	sst s3  }
0xc: {  	[smem:$0x3FAC] =	sst s4  }
0xd: {  	[smem:$0x3FAD] =	sst s5  }
0xe: {  	[smem:$0x3FAE] =	sst s6  }
0xf: {  	[smem:$0x3FAF] =	sst s7  }
0x10: {  	[smem:$0x3FB0] =	sst s8  }
0x11: {  	[smem:$0x3FB1] =	sst s9;
	s0 =	simm.s32 @!p0 $0x0  }
0x12: {  	s1 =	sld [smem:$0x3F97];
	s0 =	simm.s32 @p0 $0x1  }
0x13: {  	[smem:$0x3FB2] =	sst s0;
	s0 =	simm.s32 @!p1 $0x0  }
0x14: {  	s2 =	sld [smem:$0x3F96];
	s0 =	simm.s32 @p1 $0x1  }
0x15: {  	[smem:$0x3FB3] =	sst s0;
	s0 =	simm.s32 @!p2 $0x0  }
0x16: {  	s3 =	sld [smem:$0x3FDB];
	s0 =	simm.s32 @p2 $0x1  }
0x17: {  	s4 =	simm.s32 $0x1BF5;
	[smem:$0x3FB5] =	sst s0  }
0x18: {  	s0 =	sld [smem:$0x3F98];
	_ =	swait.ge [sflag:s4], $0x0  }
0x19: {  	s7 =	sld [smem:$0x3F99]  }
0x1a: {  	s8 =	sadd.s32 $0xFFFFE003, lr  }
0x1b: {  	s9 =	sadd.s32 $0xFFFFFEF7, lr;
	s5 =	simm.s32 $0xFFFFFFFF;
	p2 =	slt.u32 s8, $0xFFFFF086  }
0x1c: {  	p1 =	slt.u32 s9, $0xF7A;
	s5 =	simm.s32 @!p2 $0x0  }
0x1d: {  	s5 =	simm.s32 @p1 $0x1;
	p0 =	seq.s32 s7, s2  }
0x1e: {  	s7 =	smul.u32 @!p0 $0xF7A, s2;
	p2 =	seq.s32 @!p0 s5, $0x0  }
0x1f: {  	s9 =	smul.u32 $0xF7A, s1;
	s8 =	simm.s32 @!p0 $0x1BF5;
	p2 =	por !p2, p0  }
0x20: {  	[sflag:s8] =	ssyncset.s32 @!p0 $0xFFFFF086;
	s6 =	sadd.s32 @!p0 s3, s7;
	s7 =	simm.s32 @!p0 $0x108  }
0x21: {  	s3 =	sadd.s32 s3, s9;
	s6 =	sadd.s32 @!p0 $0x88, s6;
	s7 =	simm.s32 @p2 $0x1082  }
0x22: {  	[simem:s7], [sflag:s8] =	dma.local @!p0 [hbm:s6], $0xF7A  }
0x23: {  	s9 =	sor.u32 $0xD0000000, s2;
	s6 =	simm.s32 $0x108;
	_ =	swait.ge @!p0 [sflag:s8], $0x0  }
0x24: {  	s3 =	sadd.s32 $0x88, s3;
	s6 =	simm.s32 @!p1 $0x1082;
	[sflag:s4] =	ssyncset.s32 $0xFFFFF086  }
0x25: {  	[simem:s6], [sflag:s4] =	dma.local [hbm:s3], $0xF7A  }
0x26: {  	[smem:$0x3F99] =	sst s1;
	(tag) =	ssettag s2;
	_ =	strace s9  }
0x27: {  	s1 =	sld [smem:$0x3FA9]  }
0x28: {  	s2 =	sld [smem:$0x3FAA]  }
0x29: {  	s4 =	sld [smem:$0x3FAC]  }
0x2a: {  	p0 =	seq.s32 s5, $0x0;
	s5 =	sld [smem:$0x3FAD]  }
0x2b: {  	s6 =	sld [smem:$0x3FAE]  }
0x2c: {  	s7 =	sld [smem:$0x3FAF]  }
0x2d: {  	s3 =	simm.s32 $0x108;
	s8 =	sld [smem:$0x3FB0]  }
0x2e: {  	s3 =	simm.s32 @!p0 $0x1082;
	s9 =	sld [smem:$0x3FB1]  }
0x2f: {  	lr =	sadd.s32 s0, s3;
	s0 =	sld [smem:$0x3FA8]  }
0x30: {  	s3 =	sld [smem:$0x3FAB]  }
0x31: {  	[smem:$0x3FB4] =	sst s10  }
0x32: {  	s10 =	sld [smem:$0x3FB2];
	_ =	sdelay $0x3  }
0x33: {  	p0 =	seq.s32 s10, $0x1;
	s10 =	sld [smem:$0x3FB4];
	_ =	sdelay $0x3  }
0x34: {  	[smem:$0x3FB4] =	sst s10  }
0x35: {  	s10 =	sld [smem:$0x3FB3];
	_ =	sdelay $0x3  }
0x36: {  	p1 =	seq.s32 s10, $0x1;
	s10 =	sld [smem:$0x3FB4];
	_ =	sdelay $0x3  }
0x37: {  	[smem:$0x3FB4] =	sst s10  }
0x38: {  	s10 =	sld [smem:$0x3FB5]  }
0x39: {  	_ = 	snop;
	(pc) =	sbr.ind lr, $3  }
0x3a: {  	_ = 	snop  }
0x3b: {  	_ = 	snop  }
0x3c: {  	p2 =	seq.s32 s10, $0x1;
	s10 =	sld [smem:$0x3FB4]  }
0x3d: {  	_ =	shalt  }
0x3e: {  	_ =	shalt  }
0x3f: {  	_ =	shalt  }
0x40: {  	_ =	shalt  }
0x41: {  	_ =	shalt  }
0x42: {  	_ =	shalt  }
0x43: {  	_ =	shalt  }
0x44: {  	_ =	shalt  }
0x45: {  	_ =	shalt  }
0x46: {  	_ =	shalt  }
0x47: {  	_ =	shalt  }
0x48: {  	_ =	shalt  }
0x49: {  	_ =	shalt  }
0x4a: {  	_ =	shalt  }
0x4b: {  	_ =	shalt  }
0x4c: {  	_ =	shalt  }
0x4d: {  	_ =	shalt  }
0x4e: {  	_ =	shalt  }
0x4f: {  	_ =	shalt  }
0x50: {  	_ =	shalt  }
0x51: {  	_ =	shalt  }
0x52: {  	_ =	shalt  }
0x53: {  	_ =	shalt  }
0x54: {  	_ =	shalt  }
0x55: {  	_ =	shalt  }
0x56: {  	_ =	shalt  }
0x57: {  	_ =	shalt  }
0x58: {  	_ =	shalt  }
0x59: {  	_ =	shalt  }
0x5a: {  	_ =	shalt  }
0x5b: {  	_ =	shalt  }
0x5c: {  	_ =	shalt  }
0x5d: {  	_ =	shalt  }
0x5e: {  	_ =	shalt  }
0x5f: {  	_ =	shalt  }
0x60: {  	_ =	shalt  }
0x61: {  	_ =	shalt  }
0x62: {  	_ =	shalt  }
0x63: {  	_ =	shalt  }
0x64: {  	_ =	shalt  }
0x65: {  	_ =	shalt  }
0x66: {  	_ =	shalt  }
0x67: {  	_ =	shalt  }
0x68: {  	_ =	shalt  }
0x69: {  	_ =	shalt  }
0x6a: {  	_ =	shalt  }
0x6b: {  	_ =	shalt  }
0x6c: {  	_ =	shalt  }
0x6d: {  	_ =	shalt  }
0x6e: {  	_ =	shalt  }
0x6f: {  	_ =	shalt  }
0x70: {  	_ =	shalt  }
0x71: {  	_ =	shalt  }
0x72: {  	_ =	shalt  }
0x73: {  	_ =	shalt  }
0x74: {  	_ =	shalt  }
0x75: {  	_ =	shalt  }
0x76: {  	_ =	shalt  }
0x77: {  	_ =	shalt  }
0x78: {  	_ =	shalt  }
0x79: {  	_ =	shalt  }
0x7a: {  	_ =	shalt  }
0x7b: {  	_ =	shalt  }
0x7c: {  	_ =	shalt  }
0x7d: {  	_ =	shalt  }
0x7e: {  	_ =	shalt  }
0x7f: {  	_ =	shalt  }
0x80: {  	_ =	shalt  }
0x81: {  	_ =	shalt  }
0x82: {  	_ =	shalt  }
0x83: {  	_ =	shalt  }
0x84: {  	_ =	shalt  }
0x85: {  	_ =	shalt  }
0x86: {  	_ =	shalt  }
0x87: {  	_ =	shalt  }
.Lfunc_end0:
.L_simem_size_0:
called_computation.2_lowered:
.L_overlay_start_0:
0x88: {  	s2 =	sld [smem:$0x3FD9]  }
0x89: {  	s3 =	sld [smem:$0x3FFE];
	_ =	sdelay $0x1  }
0x8a: {  	s1 =	srdreg.scid  }
0x8b: {  	s0 =	sand.u32 $0x1, s1  }
0x8c: {  	s16 =	sshll.u32 s0, $0xA;
	s2 =	sadd.s32 s3, s2  }
0x8d: {  	s2 =	sadd.s32 s2, s16  }
0x8e: {  	[smem:$0x3FC0] =	sst s2  }
0x8f: {  	_ = 	snop  }
0x90: {  	(tm) =	ssettm $0x1  }
0x91: {  	s17 =	sld [smem:$0x3FFB];
	_ =	sdelay $0x3  }
0x92: {  	_ =	strace s17  }
0x93: {  	s2 =	sld [smem:$0x3FFC];
	_ =	sdelay $0x3  }
0x94: {  	_ =	strace s2  }
0x95: {  	s2 =	sld [smem:$0x3FFD];
	_ =	sdelay $0x3  }
0x96: {  	_ =	strace s2  }
0x97: {  	_ =	strace $0x8FFFFFFF  }
0x98: {  	s18 =	sld [smem:$0x3FDB];
	_ =	sdelay $0x1  }
0x99: {  	s19 =	simm.s32 $_scs_section_size  }
0x9a: {  	s4 =	simm.s32 $_size__tile_overlayer_lowered;
	s5 =	simm.s32 $_tile_overlayer_lowered  }
0x9b: {  	s22 =	simm.s32 $0x1BFF;
	s21 =	sshll.u32 s5, $0x1;
	s2 =	sadd.s32 s19, s18  }
0x9c: {  	s6 =	simm.s32 $0x0;
	s20 =	sshll.u32 s4, $0x1;
	s4 =	sadd.s32 s21, s2  }
0x9d: {  	[timem:s6], [sflag:s22] =	dma.local [hbm:s4], s20  }
0x9e: {  	_ =	swait.ge [sflag:s22], s20  }
0x9f: {  	s3 =	ssub.s32 $0x0, s20;
	[sflag:s22] =	ssyncset.done $0x0  }
0xa0: {  	[sflag:s22] =	ssyncadd.s32 s3;
	_ =	sdelay $0x1  }
0xa1: {  	s23 =	simm.s32 $0x1B8B  }
0xa2: {  	_ =	swait.ge [sflag:s23], $0x1  }
0xa3: {  	[sflag:s23] =	ssyncset.done $0x0  }
0xa4: {  	s25 =	simm.s32 $0x1B8E;
	s24 =	sld [smem:$0x3FFE];
	[sflag:s23] =	ssyncadd.s32 $0xFFFFFFFF  }
0xa5: {  	s26 =	simm.s32 $execute0_lowered;
	[smem:$0x3FD2] =	sst s25  }
0xa6: {  	s4 =	sshll.u32 s26, $0x1;
	_ =	strace $0x8000004C;
	[dreg:$0x1] =	wrdreg $0xFFFFFFFF  }
0xa7: {  	s28 =	simm.s32 $_size_execute0_lowered;
	s2 =	sadd.s32 s2, s4;
	[dreg:$0x0] =	wrdreg $0x0  }
0xa8: {  	s4 =	sshll.u32 s28, $0x1;
	[dreg:$0x2] =	wrdreg s2  }
0xa9: {  	[dreg:$0x3] =	wrdreg s4  }
0xaa: {  	[dreg:$0x4] =	wrdreg $0xC0  }
0xab: {  	_ =	task [dreg:s6], $0x5FFFF  }
0xac: {  	[dreg:$0x1] =	wrdreg $0xFFFFFFFF  }
0xad: {  	[dreg:$0x0] =	wrdreg $0x60  }
0xae: {  	[dreg:$0x2] =	wrdreg s24  }
0xaf: {  	[dreg:$0x3] =	wrdreg $0x4E200  }
0xb0: {  	[dreg:$0x4] =	wrdreg $0x9  }
0xb1: {  	_ =	task.clear_ibuf [dreg:s6], $0x5FFFF;
	_ =	strace $0x9000004C  }
0xb2: {  	s29 =	simm.s32 $0x9;
	_ =	strace $0x8000004E  }
0xb3: {  	_ =	swait.ge [sflag:s29], $0x1  }
0xb4: {  	[sflag:s29] =	ssyncadd.s32 $0xFFFFFFFF  }
0xb5: {  	_ =	strace $0x9000004E  }
0xb6: {  	_ =	sfence  }
0xb7: {  	s30 =	sld [smem:$0x0];
	_ =	sdelay $0x2  }
0xb8: {  	s31 =	sshll.u32 s1, $0xD;
	s1 =	sshrl.u32 s1, $0x2  }
0xb9: {  	s3 =	sand.u32 $0x4000, s31;
	s1 =	sadd.s32 s1, s30  }
0xba: {  	s0 =	sor.u32 s3, s0;
	s1 =	sshll.u32 s1, $0x11  }
0xbb: {  	s0 =	sor.u32 s1, s0  }
0xbc: {  	s0 =	sadd.s32 $0x8F2B, s0  }
0xbd: {  	[sflag:s0] =	ssyncadd.remote.s32 $0x1  }
0xbe: {  	_ =	sfence.sel $0xFFFF  }
0xbf: {  	[dreg:$0x0] =	wrdreg $0xFFFFFFFF;
	(pc) =	sbr.abs _section_cstart, $3  }
0xc0: {  	[dreg:$0x1] =	wrdreg $0xFFFFFFFF  }
0xc1: {  	_ =	task.clear_ibuf [dreg:s6], $0x2FFFF;
	_ =	strace $0x9FFFFFFF  }
0xc2: {  	(tm) =	ssettm $0x7FFFFFFF  }
0xc3: {  	_ =	shalt  }
tec
execute0_lowered:
.L_overlay_start_1:
0x0: {  	(tag) =	ssettag $0x1  }
0x1: {  	s8 =	rddreg [dreg:$0x0]  }
0x2: {  	s2 =	rddreg [dreg:$0x1]  }
0x3: {  	s0 =	rddreg [dreg:$0x2]  }
0x4: {  	s3 =	simm.s32 $0x0;
	s1 =	stileid.u32;
	s6 =	srdreg.scid  }
0x5: {  	s16 =	simm.s32 $0xC7200;
	s17 =	simm.s32 $0x320;
	s18 =	simm.s32 $0x1C20  }
0x6: {  	s19 =	simm.s32 $0x3520;
	s20 =	simm.s32 $0x0;
	[smem:$0x7FF] =	sst s3  }
0x7: {  	s9 =	smul.u32 $0x2780, s1;
	s4 =	sadd.s32 $0x20E00, s8;
	s5 =	sadd.s32 $0x16E00, s8  }
0x8: {  	s10 =	sand.u32 $0x1, s6;
	s6 =	sadd.s32 $0xD000, s8;
	s7 =	sadd.s32 $0x3200, s8  }
0x9: {  	s31 =	sshll.u32 s1, $0x6;
	_ =	strace $0x8000004D;
	s12 =	ssub.s32 $0x2, s10  }
0xa: {  	s15 =	sshll.u32 s10, $0x4;
	p0 =	seq.s32 s10, $0x1;
	s10 =	sor.u32 $0x1C01, s31  }
0xb: {  	s11 =	sshrl.u32 s9, $0x3;
	s30 =	sshrl.u32 s12, $0x1;
	s14 =	sadd.s32 s9, s2  }
0xc: {  	s15 =	sor.u32 s1, s15;
	s16 =	simm.s32 @!p0 $0xC2200;
	s13 =	sadd.s32 s11, s8  }
0xd: {  	s8 =	sadd.s32 $0x25E00, s8;
	s12 =	ssub.s32 s12, s30;
	s11 =	smul.u32 $0x2710, s15  }
0xe: {  	s14 =	sshrl.u32 s14, $0x3;
	s15 =	simm.s32 $0x1;
	s9 =	sadd.s32 $0x1BE00, s13  }
0xf: {  	s12 =	smax.u32 s12, $0x1;
	s13 =	sadd.s32 s16, s13;
	s16 =	simm.s32 $0x190  }
.LBB2_1:
0x10: {  	[spmem:s14], [sflag:s10] =	dma.local [hbm:s9], $0x4F0  }
0x11: {  	_ =	swait.ge [sflag:s15], $0x4F0  }
0x12: {  	[sflag:s15] =	ssyncset.done $0x0  }
0x13: {  	[sflag:s15] =	ssyncadd.s32 $0xFFFFFB10  }
0x14: {  	s21 =	simm.s32 $0x0;
	[bflag:$0x0] =	sbarrier.arrive $0xFFFF  }
.LBB2_2:
0x15: {  	s22 =	smul.u32 $0x190, s21;
	_ =	sdelay $0x1  }
0x16: {  	s22 =	sadd.s32 s11, s22  }
0x17: {  	s23 =	sshrl.u32 s22, $0x3  }
0x18: {  	s25 =	simm.s32 $0x0;
	s24 =	sadd.s32 s6, s23  }
0x19: {  	[tilespmem:s25], [sflag:$0x1] =	stream.linear.gather [hbm4b:s24+s25], $0x190, $0x38;
	[tilespmem:$0x75A0] =	vst v63  }
0x1a: {  	_ =	swait.ge [sflag:s15], $0x190  }
0x1b: {  	[sflag:s15] =	ssyncset.done $0x0  }
0x1c: {  	s23 =	sadd.s32 s7, s23;
	[sflag:s15] =	ssyncadd.s32 $0xFFFFFE70  }
0x1d: {  	[tilespmem:s16], [sflag:$0x1] =	stream.linear.gather [hbm4b:s23+s25], $0x190, $0x38;
	[tilespmem:$0x75A0] =	vst v63  }
0x1e: {  	_ =	swait.ge [sflag:s15], $0x190  }
0x1f: {  	[sflag:s15] =	ssyncset.done $0x0  }
0x20: {  	[sflag:s15] =	ssyncadd.s32 $0xFFFFFE70  }
0x21: {  	[tilespmem:s17], [sflag:$0x1] =	stream.indirect.gather [hbm4b:s4+s16], $0x10, s25, s16, $0xb8;
	[tilespmem:$0x75A0] =	vst v63  }
0x22: {  	_ =	swait.ge [sflag:s15], $0x1900  }
0x23: {  	[sflag:s15] =	ssyncset.done $0x0  }
0x24: {  	[sflag:s15] =	ssyncadd.s32 $0xFFFFE700  }
0x25: {  	[tilespmem:s18], [sflag:$0x1] =	stream.indirect.gather [hbm4b:s5+s16], $0x10, s16, s16, $0xb8;
	[tilespmem:$0x75A0] =	vst v63  }
0x26: {  	_ =	swait.ge [sflag:s15], $0x1900  }
0x27: {  	[sflag:s15] =	ssyncset.done $0x0  }
0x28: {  	s23 =	simm.s32 $0x0;
	[sflag:s15] =	ssyncadd.s32 $0xFFFFE700  }
0x29: {  	v0 =	vld [tilespmem:s23+$0x320]  }
0x2a: {  	v1 =	vld [tilespmem:s23+$0x1C20];
	_ =	sdelay $0x4  }
0x2b: {  	v0 =	vadd.f32 v1, v0;
	_ =	sdelay $0x1  }
0x2c: {  	s24 =	simm.s32 $0x10;
	v1 =	vmul.f32 $2.000000030e-01, v0  }
0x2d: {  	v2 =	vld [tilespmem:s24+$0x320];
	vm0 =	vgt.f32 v0, $0.0e+00  }
0x2e: {  	v3 =	vld [tilespmem:s24+$0x1C20];
	v0 =	vsel vm0, v0, v1  }
0x2f: {  	s26 =	simm.s32 $0x20;
	v0 =	vmul.f32 $1.442695020e+00, v0  }
0x30: {  	v1 =	vld [tilespmem:s26+$0x320]  }
0x31: {  	(erf) = vpow2.f32 v0;
	v0 =	vld [tilespmem:s26+$0x1C20];
	_ =	sdelay $0x1  }
0x32: {  	v2 =	vadd.f32 v3, v2;
	_ =	sdelay $0x1  }
0x33: {  	v3 =	vmul.f32 $2.000000030e-01, v2  }
0x34: {  	vm14 =	vgt.f32 v2, $0.0e+00;
	v4 =	vadd.f32 v0, v1  }
0x35: {  	v0 =	vsel vm14, v2, v3  }
0x36: {  	s25 =	simm.s32 $0x30;
	v1 =	vmul.f32 $1.442695020e+00, v0;
	v2 =	vmul.f32 $2.000000030e-01, v4  }
0x37: {  	v0 =	vld [tilespmem:s25+$0x320]  }
0x38: {  	(erf) = vpow2.f32 v1;
	v1 =	vld [tilespmem:s25+$0x1C20]  }
0x39: {  	vm15 =	vgt.f32 v4, $0.0e+00  }
0x3a: {  	s28 =	simm.s32 $0x100;
	v3 =	vsel vm15, v4, v2;
	v2 =	vpop (erf)  }
.LBB2_3:
0x3b: {  	s29 =	sshra.s32 s28, $0x2  }
0x3c: {  	v3 =	vmul.f32 $1.442695020e+00, v3;
	[tilespmem:s23+$0x3520] =	vst v2;
	s23 =	smov.u32 s24;
	s24 =	smov.u32 s26;
	p0 =	sne.s32 s28, $0x63C0  }
.Ltmp0:
0x3d: {  	s28 =	sadd.s32 $0x40, s28;
	v2 =	vadd.f32 v1, v0;
	v0 =	vld [tilespmem:s29+$0x320];
	(pc) =	sbr.rel @p0 .LBB2_3-.Ltmp0, $4  }
0x3e: {  	s26 =	smov.u32 s25;
	s25 =	smov.u32 s29;
	v1 =	vld [tilespmem:s29+$0x1C20];
	(erf) = vpow2.f32 v3  }
0x3f: {  	v3 =	vmul.f32 $2.000000030e-01, v2  }
0x40: {  	vm0 =	vgt.f32 v2, $0.0e+00  }
0x41: {  	v3 =	vsel vm0, v2, v3;
	v2 =	vpop (erf)  }
0x42: {  	_ = 	snop  }
0x43: {  	v0 =	vadd.f32 v1, v0;
	_ =	sdelay $0x1  }
0x44: {  	v1 =	vmul.f32 $2.000000030e-01, v0  }
0x45: {  	vm0 =	vgt.f32 v0, $0.0e+00  }
0x46: {  	v60 =	vmul.f32 $1.442695020e+00, v3;
	v0 =	vsel vm0, v0, v1  }
0x47: {  	v0 =	vmul.f32 $1.442695020e+00, v0  }
0x48: {  	(erf) = vpow2.f32 v60  }
0x49: {  	(erf) = vpow2.f32 v0;
	_ =	sdelay $0x6  }
0x4a: {  	[tilespmem:s23+$0x3520] =	vst v2;
	v61 =	vpop (erf)  }
0x4b: {  	[tilespmem:s24+$0x3520] =	vst v61;
	v62 =	vpop (erf)  }
0x4c: {  	s22 =	sshll.u32 s22, $0x1;
	[tilespmem:s26+$0x3520] =	vst v62;
	v63 =	vpop (erf)  }
0x4d: {  	s22 =	sadd.s32 s8, s22;
	[tilespmem:s25+$0x3520] =	vst v63  }
0x4e: {  	[hbm4b:s22+s3] =	stream.linear.scatter [tilespmem:s19], [sflag:$0x1], $0x1900, $0x38;
	[tilespmem:$0x75A0] =	vst v63  }
0x4f: {  	s21 =	sadd.s32 $0x1, s21;
	_ =	swait.ge [sflag:s15], $0x1900  }
0x50: {  	p0 =	sne.s32 s21, $0x19;
	[sflag:s15] =	ssyncset.done $0x0  }
.Ltmp1:
0x51: {  	[sflag:s15] =	ssyncadd.s32 $0xFFFFE700;
	(pc) =	sbr.rel @p0 .LBB2_2-.Ltmp1, $4  }
0x52: {  	[spmem:s2] =	stream.indirect.scatter.add.f32 [tilespmem:s19], [sflag:$0x1], $0x10, s16, s16, $0xb8;
	[tilespmem:$0x75A0] =	vst v63  }
0x53: {  	_ =	swait.ge [sflag:s15], $0x1900  }
0x54: {  	[sflag:s15] =	ssyncset.done $0x0  }
0x55: {  	[sflag:s15] =	ssyncadd.s32 $0xFFFFE700  }
0x56: {  	s20 =	sadd.s32 $0x1, s20  }
0x57: {  	p0 =	sne.s32 s20, s12  }
.Ltmp2:
0x58: {  	[bflag:$0x0] =	sbarrier.arrive $0xFFFF;
	(pc) =	sbr.rel @p0 .LBB2_1-.Ltmp2, $4  }
0x59: {  	[hbm:s13], [sflag:s10] =	dma.local [spmem:s14], $0x4F0  }
0x5a: {  	_ =	swait.ge [sflag:s15], $0x4F0  }
0x5b: {  	[sflag:s15] =	ssyncset.done $0x0  }
0x5c: {  	[sflag:s15] =	ssyncadd.s32 $0xFFFFFB10  }
0x5d: {  	_ =	sfence.sel $0x180000  }
0x5e: {  	[bflag:$0x0] =	sbarrier.arrive $0xFFFF  }
0x5f: {  	p0 =	sne.s32 s1, $0x0;
	_ =	strace $0x9000004D  }
0x60: {  	s0 =	sadd.s32 @!p0 $0x100000, s0;
	[bflag:$0x2] =	sbarrier.arrive $0xFFFF  }
0x61: {  	[sflag:s0] =	ssyncadd.tile.s32 @!p0 $0x1;
	_ =	shalt  }
.Lfunc_end2:
_tile_overlayer_lowered:
.L_overlay_start_2:
0x62: {  	(tag) =	ssettag $0x2  }
0x63: {  	s0 =	rddreg [dreg:$0x0];
	s2 =	stileid.u32  }
0x64: {  	s1 =	rddreg [dreg:$0x1];
	p0 =	sne.s32 s2, $0x0  }
0x65: {  	s3 =	rddreg [dreg:$0x2];
	[bflag:$0x3] =	sbarrier.arrive $0xFFFF;
	s2 =	simm.s32 @!p0 $0x1C01  }
0x66: {  	[timem:s3], [sflag:s2] =	dma.local @!p0 [hbm:s0], s1  }
0x67: {  	s0 =	simm.s32 @!p0 $0x1  }
0x68: {  	_ =	swait.ge @!p0 [sflag:s0], s1  }
0x69: {  	s1 =	ssub.s32 @!p0 $0x0, s1;
	[sflag:s0] =	ssyncset.done @!p0 $0x0  }
0x6a: {  	[sflag:s0] =	ssyncadd.s32 @!p0 s1  }
0x6b: {  	[bflag:$0x3] =	sbarrier.arrive $0xFFFF  }
0x6c: {  	_ =	shalt  }

// kernel: kernel.18.cloned.1.call-start
scs
__scs_entry_jumppad:
0x0: {  	(pc) =	sbr.rel $0x88, $3  }
0x1: {  	(tag) =	ssettag $0x0;
	lr =	simm.s32 $0x1  }
0x2: {  	[smem:$0x3F99] =	sst lr;
	_ =	strace $0xD0000000  }
0x3: {  	_ = 	snop  }
0x4: {  	_ = 	snop  }
0x5: {  	_ = 	snop  }
0x6: {  	_ = 	snop  }
0x7: {  	_ = 	snop  }
__scs_overlays_trampoline_lowered:
0x8: {  	[smem:$0x3FA8] =	sst s0  }
0x9: {  	[smem:$0x3FA9] =	sst s1  }
0xa: {  	[smem:$0x3FAA] =	sst s2  }
0xb: {  	[smem:$0x3FAB] =	sst s3  }
0xc: {  	[smem:$0x3FAC] =	sst s4  }
0xd: {  	[smem:$0x3FAD] =	sst s5  }
0xe: {  	[smem:$0x3FAE] =	sst s6  }
0xf: {  	[smem:$0x3FAF] =	sst s7  }
0x10: {  	[smem:$0x3FB0] =	sst s8  }
0x11: {  	[smem:$0x3FB1] =	sst s9;
	s0 =	simm.s32 @!p0 $0x0  }
0x12: {  	s1 =	sld [smem:$0x3F97];
	s0 =	simm.s32 @p0 $0x1  }
0x13: {  	[smem:$0x3FB2] =	sst s0;
	s0 =	simm.s32 @!p1 $0x0  }
0x14: {  	s2 =	sld [smem:$0x3F96];
	s0 =	simm.s32 @p1 $0x1  }
0x15: {  	[smem:$0x3FB3] =	sst s0;
	s0 =	simm.s32 @!p2 $0x0  }
0x16: {  	s3 =	sld [smem:$0x3FDB];
	s0 =	simm.s32 @p2 $0x1  }
0x17: {  	s4 =	simm.s32 $0x1BF5;
	[smem:$0x3FB5] =	sst s0  }
0x18: {  	s0 =	sld [smem:$0x3F98];
	_ =	swait.ge [sflag:s4], $0x0  }
0x19: {  	s7 =	sld [smem:$0x3F99]  }
0x1a: {  	s8 =	sadd.s32 $0xFFFFE003, lr  }
0x1b: {  	s9 =	sadd.s32 $0xFFFFFEF7, lr;
	s5 =	simm.s32 $0xFFFFFFFF;
	p2 =	slt.u32 s8, $0xFFFFF086  }
0x1c: {  	p1 =	slt.u32 s9, $0xF7A;
	s5 =	simm.s32 @!p2 $0x0  }
0x1d: {  	s5 =	simm.s32 @p1 $0x1;
	p0 =	seq.s32 s7, s2  }
0x1e: {  	s7 =	smul.u32 @!p0 $0xF7A, s2;
	p2 =	seq.s32 @!p0 s5, $0x0  }
0x1f: {  	s9 =	smul.u32 $0xF7A, s1;
	s8 =	simm.s32 @!p0 $0x1BF5;
	p2 =	por !p2, p0  }
0x20: {  	[sflag:s8] =	ssyncset.s32 @!p0 $0xFFFFF086;
	s6 =	sadd.s32 @!p0 s3, s7;
	s7 =	simm.s32 @!p0 $0x108  }
0x21: {  	s3 =	sadd.s32 s3, s9;
	s6 =	sadd.s32 @!p0 $0x88, s6;
	s7 =	simm.s32 @p2 $0x1082  }
0x22: {  	[simem:s7], [sflag:s8] =	dma.local @!p0 [hbm:s6], $0xF7A  }
0x23: {  	s9 =	sor.u32 $0xD0000000, s2;
	s6 =	simm.s32 $0x108;
	_ =	swait.ge @!p0 [sflag:s8], $0x0  }
0x24: {  	s3 =	sadd.s32 $0x88, s3;
	s6 =	simm.s32 @!p1 $0x1082;
	[sflag:s4] =	ssyncset.s32 $0xFFFFF086  }
0x25: {  	[simem:s6], [sflag:s4] =	dma.local [hbm:s3], $0xF7A  }
0x26: {  	[smem:$0x3F99] =	sst s1;
	(tag) =	ssettag s2;
	_ =	strace s9  }
0x27: {  	s1 =	sld [smem:$0x3FA9]  }
0x28: {  	s2 =	sld [smem:$0x3FAA]  }
0x29: {  	s4 =	sld [smem:$0x3FAC]  }
0x2a: {  	p0 =	seq.s32 s5, $0x0;
	s5 =	sld [smem:$0x3FAD]  }
0x2b: {  	s6 =	sld [smem:$0x3FAE]  }
0x2c: {  	s7 =	sld [smem:$0x3FAF]  }
0x2d: {  	s3 =	simm.s32 $0x108;
	s8 =	sld [smem:$0x3FB0]  }
0x2e: {  	s3 =	simm.s32 @!p0 $0x1082;
	s9 =	sld [smem:$0x3FB1]  }
0x2f: {  	lr =	sadd.s32 s0, s3;
	s0 =	sld [smem:$0x3FA8]  }
0x30: {  	s3 =	sld [smem:$0x3FAB]  }
0x31: {  	[smem:$0x3FB4] =	sst s10  }
0x32: {  	s10 =	sld [smem:$0x3FB2];
	_ =	sdelay $0x3  }
0x33: {  	p0 =	seq.s32 s10, $0x1;
	s10 =	sld [smem:$0x3FB4];
	_ =	sdelay $0x3  }
0x34: {  	[smem:$0x3FB4] =	sst s10  }
0x35: {  	s10 =	sld [smem:$0x3FB3];
	_ =	sdelay $0x3  }
0x36: {  	p1 =	seq.s32 s10, $0x1;
	s10 =	sld [smem:$0x3FB4];
	_ =	sdelay $0x3  }
0x37: {  	[smem:$0x3FB4] =	sst s10  }
0x38: {  	s10 =	sld [smem:$0x3FB5]  }
0x39: {  	_ = 	snop;
	(pc) =	sbr.ind lr, $3  }
0x3a: {  	_ = 	snop  }
0x3b: {  	_ = 	snop  }
0x3c: {  	p2 =	seq.s32 s10, $0x1;
	s10 =	sld [smem:$0x3FB4]  }
0x3d: {  	_ =	shalt  }
0x3e: {  	_ =	shalt  }
0x3f: {  	_ =	shalt  }
0x40: {  	_ =	shalt  }
0x41: {  	_ =	shalt  }
0x42: {  	_ =	shalt  }
0x43: {  	_ =	shalt  }
0x44: {  	_ =	shalt  }
0x45: {  	_ =	shalt  }
0x46: {  	_ =	shalt  }
0x47: {  	_ =	shalt  }
0x48: {  	_ =	shalt  }
0x49: {  	_ =	shalt  }
0x4a: {  	_ =	shalt  }
0x4b: {  	_ =	shalt  }
0x4c: {  	_ =	shalt  }
0x4d: {  	_ =	shalt  }
0x4e: {  	_ =	shalt  }
0x4f: {  	_ =	shalt  }
0x50: {  	_ =	shalt  }
0x51: {  	_ =	shalt  }
0x52: {  	_ =	shalt  }
0x53: {  	_ =	shalt  }
0x54: {  	_ =	shalt  }
0x55: {  	_ =	shalt  }
0x56: {  	_ =	shalt  }
0x57: {  	_ =	shalt  }
0x58: {  	_ =	shalt  }
0x59: {  	_ =	shalt  }
0x5a: {  	_ =	shalt  }
0x5b: {  	_ =	shalt  }
0x5c: {  	_ =	shalt  }
0x5d: {  	_ =	shalt  }
0x5e: {  	_ =	shalt  }
0x5f: {  	_ =	shalt  }
0x60: {  	_ =	shalt  }
0x61: {  	_ =	shalt  }
0x62: {  	_ =	shalt  }
0x63: {  	_ =	shalt  }
0x64: {  	_ =	shalt  }
0x65: {  	_ =	shalt  }
0x66: {  	_ =	shalt  }
0x67: {  	_ =	shalt  }
0x68: {  	_ =	shalt  }
0x69: {  	_ =	shalt  }
0x6a: {  	_ =	shalt  }
0x6b: {  	_ =	shalt  }
0x6c: {  	_ =	shalt  }
0x6d: {  	_ =	shalt  }
0x6e: {  	_ =	shalt  }
0x6f: {  	_ =	shalt  }
0x70: {  	_ =	shalt  }
0x71: {  	_ =	shalt  }
0x72: {  	_ =	shalt  }
0x73: {  	_ =	shalt  }
0x74: {  	_ =	shalt  }
0x75: {  	_ =	shalt  }
0x76: {  	_ =	shalt  }
0x77: {  	_ =	shalt  }
0x78: {  	_ =	shalt  }
0x79: {  	_ =	shalt  }
0x7a: {  	_ =	shalt  }
0x7b: {  	_ =	shalt  }
0x7c: {  	_ =	shalt  }
0x7d: {  	_ =	shalt  }
0x7e: {  	_ =	shalt  }
0x7f: {  	_ =	shalt  }
0x80: {  	_ =	shalt  }
0x81: {  	_ =	shalt  }
0x82: {  	_ =	shalt  }
0x83: {  	_ =	shalt  }
0x84: {  	_ =	shalt  }
0x85: {  	_ =	shalt  }
0x86: {  	_ =	shalt  }
0x87: {  	_ =	shalt  }
.Lfunc_end0:
.L_simem_size_0:
called_computation.3_lowered:
.L_overlay_start_0:
0x88: {  	s2 =	sld [smem:$0x3FD9]  }
0x89: {  	s3 =	sld [smem:$0x3FFE];
	_ =	sdelay $0x1  }
0x8a: {  	s1 =	srdreg.scid  }
0x8b: {  	s0 =	sand.u32 $0x1, s1  }
0x8c: {  	s16 =	sshll.u32 s0, $0xA;
	s2 =	sadd.s32 s3, s2  }
0x8d: {  	s2 =	sadd.s32 s2, s16  }
0x8e: {  	[smem:$0x3FC0] =	sst s2  }
0x8f: {  	_ = 	snop  }
0x90: {  	(tm) =	ssettm $0x1  }
0x91: {  	s17 =	sld [smem:$0x3FFB];
	_ =	sdelay $0x3  }
0x92: {  	_ =	strace s17  }
0x93: {  	s2 =	sld [smem:$0x3FFC];
	_ =	sdelay $0x3  }
0x94: {  	_ =	strace s2  }
0x95: {  	s2 =	sld [smem:$0x3FFD];
	_ =	sdelay $0x3  }
0x96: {  	_ =	strace s2  }
0x97: {  	_ =	strace $0x8FFFFFFF  }
0x98: {  	s18 =	sld [smem:$0x3FDB];
	_ =	sdelay $0x1  }
0x99: {  	s19 =	simm.s32 $_scs_section_size  }
0x9a: {  	s4 =	simm.s32 $_size__tile_overlayer_lowered;
	s5 =	simm.s32 $_tile_overlayer_lowered  }
0x9b: {  	s22 =	simm.s32 $0x1BFF;
	s21 =	sshll.u32 s5, $0x1;
	s2 =	sadd.s32 s19, s18  }
0x9c: {  	s6 =	simm.s32 $0x0;
	s20 =	sshll.u32 s4, $0x1;
	s4 =	sadd.s32 s21, s2  }
0x9d: {  	[timem:s6], [sflag:s22] =	dma.local [hbm:s4], s20  }
0x9e: {  	_ =	swait.ge [sflag:s22], s20  }
0x9f: {  	s3 =	ssub.s32 $0x0, s20;
	[sflag:s22] =	ssyncset.done $0x0  }
0xa0: {  	[sflag:s22] =	ssyncadd.s32 s3;
	_ =	sdelay $0x1  }
0xa1: {  	s23 =	simm.s32 $0x1B8B  }
0xa2: {  	_ =	swait.ge [sflag:s23], $0x1  }
0xa3: {  	[sflag:s23] =	ssyncset.done $0x0  }
0xa4: {  	s25 =	simm.s32 $0x1B8E;
	s24 =	sld [smem:$0x3FFE];
	[sflag:s23] =	ssyncadd.s32 $0xFFFFFFFF  }
0xa5: {  	s26 =	simm.s32 $execute0_lowered;
	[smem:$0x3FD2] =	sst s25  }
0xa6: {  	s4 =	sshll.u32 s26, $0x1;
	_ =	strace $0x8000004F;
	[dreg:$0x1] =	wrdreg $0xFFFFFFFF  }
0xa7: {  	s28 =	simm.s32 $_size_execute0_lowered;
	s2 =	sadd.s32 s2, s4;
	[dreg:$0x0] =	wrdreg $0x0  }
0xa8: {  	s4 =	sshll.u32 s28, $0x1;
	[dreg:$0x2] =	wrdreg s2  }
0xa9: {  	[dreg:$0x3] =	wrdreg s4  }
0xaa: {  	[dreg:$0x4] =	wrdreg $0xC0  }
0xab: {  	_ =	task [dreg:s6], $0x5FFFF  }
0xac: {  	[dreg:$0x1] =	wrdreg $0xFFFFFFFF  }
0xad: {  	[dreg:$0x0] =	wrdreg $0x60  }
0xae: {  	[dreg:$0x2] =	wrdreg s24  }
0xaf: {  	[dreg:$0x3] =	wrdreg $0x80200  }
0xb0: {  	[dreg:$0x4] =	wrdreg $0x9  }
0xb1: {  	_ =	task.clear_ibuf [dreg:s6], $0x5FFFF;
	_ =	strace $0x9000004F  }
0xb2: {  	s29 =	simm.s32 $0x9;
	_ =	strace $0x80000051  }
0xb3: {  	_ =	swait.ge [sflag:s29], $0x1  }
0xb4: {  	[sflag:s29] =	ssyncadd.s32 $0xFFFFFFFF  }
0xb5: {  	_ =	strace $0x90000051  }
0xb6: {  	_ =	sfence  }
0xb7: {  	s30 =	sld [smem:$0x0];
	_ =	sdelay $0x2  }
0xb8: {  	s31 =	sshll.u32 s1, $0xD;
	s1 =	sshrl.u32 s1, $0x2  }
0xb9: {  	s3 =	sand.u32 $0x4000, s31;
	s1 =	sadd.s32 s1, s30  }
0xba: {  	s0 =	sor.u32 s3, s0;
	s1 =	sshll.u32 s1, $0x11  }
0xbb: {  	s0 =	sor.u32 s1, s0  }
0xbc: {  	s0 =	sadd.s32 $0x8F2B, s0  }
0xbd: {  	[sflag:s0] =	ssyncadd.remote.s32 $0x1  }
0xbe: {  	_ =	sfence.sel $0xFFFF  }
0xbf: {  	[dreg:$0x0] =	wrdreg $0xFFFFFFFF;
	(pc) =	sbr.abs _section_cstart, $3  }
0xc0: {  	[dreg:$0x1] =	wrdreg $0xFFFFFFFF  }
0xc1: {  	_ =	task.clear_ibuf [dreg:s6], $0x2FFFF;
	_ =	strace $0x9FFFFFFF  }
0xc2: {  	(tm) =	ssettm $0x7FFFFFFF  }
0xc3: {  	_ =	shalt  }
tec
execute0_lowered:
.L_overlay_start_1:
0x0: {  	(tag) =	ssettag $0x1  }
0x1: {  	s10 =	rddreg [dreg:$0x0]  }
0x2: {  	s1 =	rddreg [dreg:$0x1]  }
0x3: {  	s0 =	rddreg [dreg:$0x2];
	s3 =	simm.s32 $0x0;
	s2 =	stileid.u32  }
0x4: {  	s8 =	srdreg.scid;
	s17 =	simm.s32 $0xD1200;
	s18 =	simm.s32 $0x320  }
0x5: {  	s19 =	simm.s32 $0x1C20;
	s20 =	simm.s32 $0x3520;
	s21 =	simm.s32 $0x4E20  }
0x6: {  	s22 =	simm.s32 $0x6720;
	[smem:$0x7FF] =	sst s3;
	s4 =	sadd.s32 $0xCC200, s10  }
0x7: {  	s5 =	sadd.s32 $0x25E00, s10;
	s11 =	smul.u32 $0x2780, s2;
	s6 =	sadd.s32 $0xC2200, s10  }
0x8: {  	s7 =	sadd.s32 $0xC7200, s10;
	s12 =	sand.u32 $0x1, s8;
	s8 =	sadd.s32 $0xD000, s10  }
0x9: {  	s9 =	sadd.s32 $0x3200, s10;
	s30 =	sshll.u32 s2, $0x6;
	_ =	strace $0x80000050  }
0xa: {  	s14 =	ssub.s32 $0x2, s12;
	s31 =	sshll.u32 s12, $0x4;
	p0 =	seq.s32 s12, $0x1  }
0xb: {  	s13 =	sshrl.u32 s11, $0x3;
	s28 =	sshrl.u32 s14, $0x1;
	s16 =	sadd.s32 s11, s1  }
0xc: {  	s11 =	sor.u32 $0x1C01, s30;
	s17 =	simm.s32 @!p0 $0xD6200;
	s15 =	sadd.s32 s13, s10  }
0xd: {  	s29 =	ssub.s32 s14, s28;
	s14 =	sor.u32 s2, s31;
	s10 =	sadd.s32 $0x1BE00, s15  }
0xe: {  	s12 =	smul.u32 $0x2710, s14;
	s13 =	smax.u32 s29, $0x1;
	s14 =	sadd.s32 s17, s15  }
0xf: {  	s15 =	sshrl.u32 s16, $0x3;
	s16 =	simm.s32 $0x1;
	s17 =	simm.s32 $0x190  }
.LBB2_1:
0x10: {  	[spmem:s15], [sflag:s11] =	dma.local [hbm:s10], $0x4F0  }
0x11: {  	_ =	swait.ge [sflag:s16], $0x4F0  }
0x12: {  	[sflag:s16] =	ssyncset.done $0x0  }
0x13: {  	[sflag:s16] =	ssyncadd.s32 $0xFFFFFB10  }
0x14: {  	s23 =	simm.s32 $0x0;
	[bflag:$0x0] =	sbarrier.arrive $0xFFFF  }
.LBB2_2:
0x15: {  	s24 =	smul.u32 $0x190, s23;
	_ =	sdelay $0x1  }
0x16: {  	s24 =	sadd.s32 s12, s24  }
0x17: {  	s25 =	sshrl.u32 s24, $0x3  }
0x18: {  	s28 =	simm.s32 $0x0;
	s26 =	sadd.s32 s8, s25  }
0x19: {  	[tilespmem:s28], [sflag:$0x1] =	stream.linear.gather [hbm4b:s26+s28], $0x190, $0x38;
	[tilespmem:$0xA7A0] =	vst v63  }
0x1a: {  	_ =	swait.ge [sflag:s16], $0x190  }
0x1b: {  	[sflag:s16] =	ssyncset.done $0x0  }
0x1c: {  	s25 =	sadd.s32 s9, s25;
	[sflag:s16] =	ssyncadd.s32 $0xFFFFFE70  }
0x1d: {  	[tilespmem:s17], [sflag:$0x1] =	stream.linear.gather [hbm4b:s25+s28], $0x190, $0x38;
	[tilespmem:$0xA7A0] =	vst v63  }
0x1e: {  	_ =	swait.ge [sflag:s16], $0x190  }
0x1f: {  	[sflag:s16] =	ssyncset.done $0x0  }
0x20: {  	[sflag:s16] =	ssyncadd.s32 $0xFFFFFE70  }
0x21: {  	[tilespmem:s18], [sflag:$0x1] =	stream.indirect.gather [hbm4b:s4+s17], $0x10, s28, s17, $0xb8;
	[tilespmem:$0xA7A0] =	vst v63  }
0x22: {  	_ =	swait.ge [sflag:s16], $0x1900  }
0x23: {  	s24 =	sshll.u32 s24, $0x1;
	[sflag:s16] =	ssyncset.done $0x0  }
0x24: {  	s24 =	sadd.s32 s5, s24;
	[sflag:s16] =	ssyncadd.s32 $0xFFFFE700  }
0x25: {  	[tilespmem:s19], [sflag:$0x1] =	stream.linear.gather [hbm4b:s24+s28], $0x1900, $0x38;
	[tilespmem:$0xA7A0] =	vst v63  }
0x26: {  	_ =	swait.ge [sflag:s16], $0x1900  }
0x27: {  	[sflag:s16] =	ssyncset.done $0x0  }
0x28: {  	[sflag:s16] =	ssyncadd.s32 $0xFFFFE700  }
0x29: {  	[tilespmem:s20], [sflag:$0x1] =	stream.indirect.gather [hbm4b:s6+s17], $0x10, s17, s17, $0xb8;
	[tilespmem:$0xA7A0] =	vst v63  }
0x2a: {  	_ =	swait.ge [sflag:s16], $0x1900  }
0x2b: {  	[sflag:s16] =	ssyncset.done $0x0  }
0x2c: {  	[sflag:s16] =	ssyncadd.s32 $0xFFFFE700  }
0x2d: {  	[tilespmem:s21], [sflag:$0x1] =	stream.indirect.gather [hbm4b:s7+s17], $0x10, s17, s17, $0xb8;
	[tilespmem:$0xA7A0] =	vst v63  }
0x2e: {  	_ =	swait.ge [sflag:s16], $0x1900  }
0x2f: {  	[sflag:s16] =	ssyncset.done $0x0  }
0x30: {  	s26 =	simm.s32 $0x0;
	[sflag:s16] =	ssyncadd.s32 $0xFFFFE700  }
0x31: {  	v0 =	vld [tilespmem:s26+$0x3520]  }
0x32: {  	v1 =	vld [tilespmem:s26+$0x4E20];
	_ =	sdelay $0x2  }
0x33: {  	s24 =	simm.s32 $0x10  }
0x34: {  	v3 =	vld [tilespmem:s24+$0x3520]  }
0x35: {  	v4 =	vld [tilespmem:s24+$0x4E20];
	v1 =	vadd.f32 v1, v0;
	_ =	sdelay $0x1  }
0x36: {  	(erf) = vrcp.f32 v1;
	_ =	sdelay $0x2  }
0x37: {  	s25 =	simm.s32 $0x20;
	v2 =	vld [tilespmem:s26+$0x1C20];
	v4 =	vadd.f32 v4, v3  }
0x38: {  	v0 =	vld [tilespmem:s25+$0x3520]  }
0x39: {  	v3 =	vld [tilespmem:s25+$0x4E20];
	(erf) = vrcp.f32 v4;
	_ =	sdelay $0x1  }
0x3a: {  	v1 =	vld [tilespmem:s26+$0x320]  }
0x3b: {  	s28 =	simm.s32 $0xC0  }
.LBB2_3:
0x3c: {  	s29 =	sshra.s32 s28, $0x2;
	v4 =	vld [tilespmem:s24+$0x1C20];
	v5 =	vpop (erf);
	p0 =	sne.s32 s28, $0x63C0  }
.Ltmp0:
0x3d: {  	s28 =	sadd.s32 $0x40, s28;
	v6 =	vadd.f32 v3, v0;
	v0 =	vld [tilespmem:s29+$0x3520];
	v2 =	vmul.f32 v5, v2;
	(pc) =	sbr.rel @p0 .LBB2_3-.Ltmp0, $4  }
0x3e: {  	v3 =	vld [tilespmem:s29+$0x4E20]  }
0x3f: {  	(erf) = vrcp.f32 v6;
	v5 =	vmul.f32 v2, v1  }
0x40: {  	v1 =	vld [tilespmem:s24+$0x320]  }
0x41: {  	[tilespmem:s26+$0x6720] =	vst v5;
	v2 =	vmov v4;
	s26 =	smov.u32 s24;
	s24 =	smov.u32 s25;
	s25 =	smov.u32 s29  }
0x42: {  	_ = 	snop  }
0x43: {  	v0 =	vadd.f32 v3, v0  }
0x44: {  	v59 =	vpop (erf)  }
0x45: {  	v2 =	vmul.f32 v59, v2;
	(erf) = vrcp.f32 v0;
	_ =	sdelay $0x1  }
0x46: {  	v1 =	vmul.f32 v2, v1  }
0x47: {  	v60 =	vld [tilespmem:s24+$0x1C20]  }
0x48: {  	v61 =	vld [tilespmem:s24+$0x320];
	[tilespmem:s26+$0x6720] =	vst v1  }
0x49: {  	v1 =	vld [tilespmem:s25+$0x1C20];
	_ =	sdelay $0x1  }
0x4a: {  	v62 =	vld [tilespmem:s25+$0x320]  }
0x4b: {  	v4 =	vpop (erf)  }
0x4c: {  	v0 =	vmul.f32 v4, v60;
	v63 =	vpop (erf)  }
0x4d: {  	v1 =	vmul.f32 v63, v1  }
0x4e: {  	v0 =	vmul.f32 v0, v61  }
0x4f: {  	s23 =	sadd.s32 $0x1, s23;
	v1 =	vmul.f32 v1, v62  }
0x50: {  	p0 =	sne.s32 s23, $0x19;
	[tilespmem:s24+$0x6720] =	vst v0  }
.Ltmp1:
0x51: {  	[tilespmem:s25+$0x6720] =	vst v1;
	(pc) =	sbr.rel @p0 .LBB2_2-.Ltmp1, $4  }
0x52: {  	[spmem:s1] =	stream.indirect.scatter.add.f32 [tilespmem:s22], [sflag:$0x1], $0x10, s17, s17, $0xb8;
	[tilespmem:$0xA7A0] =	vst v63  }
0x53: {  	_ =	swait.ge [sflag:s16], $0x1900  }
0x54: {  	[sflag:s16] =	ssyncset.done $0x0  }
0x55: {  	[sflag:s16] =	ssyncadd.s32 $0xFFFFE700  }
0x56: {  	s3 =	sadd.s32 $0x1, s3  }
0x57: {  	p0 =	sne.s32 s3, s13  }
.Ltmp2:
0x58: {  	[bflag:$0x0] =	sbarrier.arrive $0xFFFF;
	(pc) =	sbr.rel @p0 .LBB2_1-.Ltmp2, $4  }
0x59: {  	[hbm:s14], [sflag:s11] =	dma.local [spmem:s15], $0x4F0  }
0x5a: {  	_ =	swait.ge [sflag:s16], $0x4F0  }
0x5b: {  	[sflag:s16] =	ssyncset.done $0x0  }
0x5c: {  	[sflag:s16] =	ssyncadd.s32 $0xFFFFFB10  }
0x5d: {  	_ =	sfence.sel $0x180000  }
0x5e: {  	[bflag:$0x0] =	sbarrier.arrive $0xFFFF  }
0x5f: {  	p0 =	sne.s32 s2, $0x0;
	_ =	strace $0x90000050  }
0x60: {  	s0 =	sadd.s32 @!p0 $0x100000, s0;
	[bflag:$0x2] =	sbarrier.arrive $0xFFFF  }
0x61: {  	[sflag:s0] =	ssyncadd.tile.s32 @!p0 $0x1;
	_ =	shalt  }
.Lfunc_end2:
_tile_overlayer_lowered:
.L_overlay_start_2:
0x62: {  	(tag) =	ssettag $0x2  }
0x63: {  	s0 =	rddreg [dreg:$0x0];
	s2 =	stileid.u32  }
0x64: {  	s1 =	rddreg [dreg:$0x1];
	p0 =	sne.s32 s2, $0x0  }
0x65: {  	s3 =	rddreg [dreg:$0x2];
	[bflag:$0x3] =	sbarrier.arrive $0xFFFF;
	s2 =	simm.s32 @!p0 $0x1C01  }
0x66: {  	[timem:s3], [sflag:s2] =	dma.local @!p0 [hbm:s0], s1  }
0x67: {  	s0 =	simm.s32 @!p0 $0x1  }
0x68: {  	_ =	swait.ge @!p0 [sflag:s0], s1  }
0x69: {  	s1 =	ssub.s32 @!p0 $0x0, s1;
	[sflag:s0] =	ssyncset.done @!p0 $0x0  }
0x6a: {  	[sflag:s0] =	ssyncadd.s32 @!p0 s1  }
0x6b: {  	[bflag:$0x3] =	sbarrier.arrive $0xFFFF  }
0x6c: {  	_ =	shalt  }

// kernel: kernel.9.cloned.1.call-start
scs
__scs_entry_jumppad:
0x0: {  	(pc) =	sbr.rel $0x88, $3  }
0x1: {  	(tag) =	ssettag $0x0;
	lr =	simm.s32 $0x1  }
0x2: {  	[smem:$0x3F99] =	sst lr;
	_ =	strace $0xD0000000  }
0x3: {  	_ = 	snop  }
0x4: {  	_ = 	snop  }
0x5: {  	_ = 	snop  }
0x6: {  	_ = 	snop  }
0x7: {  	_ = 	snop  }
__scs_overlays_trampoline_lowered:
0x8: {  	[smem:$0x3FA8] =	sst s0  }
0x9: {  	[smem:$0x3FA9] =	sst s1  }
0xa: {  	[smem:$0x3FAA] =	sst s2  }
0xb: {  	[smem:$0x3FAB] =	sst s3  }
0xc: {  	[smem:$0x3FAC] =	sst s4  }
0xd: {  	[smem:$0x3FAD] =	sst s5  }
0xe: {  	[smem:$0x3FAE] =	sst s6  }
0xf: {  	[smem:$0x3FAF] =	sst s7  }
0x10: {  	[smem:$0x3FB0] =	sst s8  }
0x11: {  	[smem:$0x3FB1] =	sst s9;
	s0 =	simm.s32 @!p0 $0x0  }
0x12: {  	s1 =	sld [smem:$0x3F97];
	s0 =	simm.s32 @p0 $0x1  }
0x13: {  	[smem:$0x3FB2] =	sst s0;
	s0 =	simm.s32 @!p1 $0x0  }
0x14: {  	s2 =	sld [smem:$0x3F96];
	s0 =	simm.s32 @p1 $0x1  }
0x15: {  	[smem:$0x3FB3] =	sst s0;
	s0 =	simm.s32 @!p2 $0x0  }
0x16: {  	s3 =	sld [smem:$0x3FDB];
	s0 =	simm.s32 @p2 $0x1  }
0x17: {  	s4 =	simm.s32 $0x1BF5;
	[smem:$0x3FB5] =	sst s0  }
0x18: {  	s0 =	sld [smem:$0x3F98];
	_ =	swait.ge [sflag:s4], $0x0  }
0x19: {  	s7 =	sld [smem:$0x3F99]  }
0x1a: {  	s8 =	sadd.s32 $0xFFFFE003, lr  }
0x1b: {  	s9 =	sadd.s32 $0xFFFFFEF7, lr;
	s5 =	simm.s32 $0xFFFFFFFF;
	p2 =	slt.u32 s8, $0xFFFFF086  }
0x1c: {  	p1 =	slt.u32 s9, $0xF7A;
	s5 =	simm.s32 @!p2 $0x0  }
0x1d: {  	s5 =	simm.s32 @p1 $0x1;
	p0 =	seq.s32 s7, s2  }
0x1e: {  	s7 =	smul.u32 @!p0 $0xF7A, s2;
	p2 =	seq.s32 @!p0 s5, $0x0  }
0x1f: {  	s9 =	smul.u32 $0xF7A, s1;
	s8 =	simm.s32 @!p0 $0x1BF5;
	p2 =	por !p2, p0  }
0x20: {  	[sflag:s8] =	ssyncset.s32 @!p0 $0xFFFFF086;
	s6 =	sadd.s32 @!p0 s3, s7;
	s7 =	simm.s32 @!p0 $0x108  }
0x21: {  	s3 =	sadd.s32 s3, s9;
	s6 =	sadd.s32 @!p0 $0x88, s6;
	s7 =	simm.s32 @p2 $0x1082  }
0x22: {  	[simem:s7], [sflag:s8] =	dma.local @!p0 [hbm:s6], $0xF7A  }
0x23: {  	s9 =	sor.u32 $0xD0000000, s2;
	s6 =	simm.s32 $0x108;
	_ =	swait.ge @!p0 [sflag:s8], $0x0  }
0x24: {  	s3 =	sadd.s32 $0x88, s3;
	s6 =	simm.s32 @!p1 $0x1082;
	[sflag:s4] =	ssyncset.s32 $0xFFFFF086  }
0x25: {  	[simem:s6], [sflag:s4] =	dma.local [hbm:s3], $0xF7A  }
0x26: {  	[smem:$0x3F99] =	sst s1;
	(tag) =	ssettag s2;
	_ =	strace s9  }
0x27: {  	s1 =	sld [smem:$0x3FA9]  }
0x28: {  	s2 =	sld [smem:$0x3FAA]  }
0x29: {  	s4 =	sld [smem:$0x3FAC]  }
0x2a: {  	p0 =	seq.s32 s5, $0x0;
	s5 =	sld [smem:$0x3FAD]  }
0x2b: {  	s6 =	sld [smem:$0x3FAE]  }
0x2c: {  	s7 =	sld [smem:$0x3FAF]  }
0x2d: {  	s3 =	simm.s32 $0x108;
	s8 =	sld [smem:$0x3FB0]  }
0x2e: {  	s3 =	simm.s32 @!p0 $0x1082;
	s9 =	sld [smem:$0x3FB1]  }
0x2f: {  	lr =	sadd.s32 s0, s3;
	s0 =	sld [smem:$0x3FA8]  }
0x30: {  	s3 =	sld [smem:$0x3FAB]  }
0x31: {  	[smem:$0x3FB4] =	sst s10  }
0x32: {  	s10 =	sld [smem:$0x3FB2];
	_ =	sdelay $0x3  }
0x33: {  	p0 =	seq.s32 s10, $0x1;
	s10 =	sld [smem:$0x3FB4];
	_ =	sdelay $0x3  }
0x34: {  	[smem:$0x3FB4] =	sst s10  }
0x35: {  	s10 =	sld [smem:$0x3FB3];
	_ =	sdelay $0x3  }
0x36: {  	p1 =	seq.s32 s10, $0x1;
	s10 =	sld [smem:$0x3FB4];
	_ =	sdelay $0x3  }
0x37: {  	[smem:$0x3FB4] =	sst s10  }
0x38: {  	s10 =	sld [smem:$0x3FB5]  }
0x39: {  	_ = 	snop;
	(pc) =	sbr.ind lr, $3  }
0x3a: {  	_ = 	snop  }
0x3b: {  	_ = 	snop  }
0x3c: {  	p2 =	seq.s32 s10, $0x1;
	s10 =	sld [smem:$0x3FB4]  }
0x3d: {  	_ =	shalt  }
0x3e: {  	_ =	shalt  }
0x3f: {  	_ =	shalt  }
0x40: {  	_ =	shalt  }
0x41: {  	_ =	shalt  }
0x42: {  	_ =	shalt  }
0x43: {  	_ =	shalt  }
0x44: {  	_ =	shalt  }
0x45: {  	_ =	shalt  }
0x46: {  	_ =	shalt  }
0x47: {  	_ =	shalt  }
0x48: {  	_ =	shalt  }
0x49: {  	_ =	shalt  }
0x4a: {  	_ =	shalt  }
0x4b: {  	_ =	shalt  }
0x4c: {  	_ =	shalt  }
0x4d: {  	_ =	shalt  }
0x4e: {  	_ =	shalt  }
0x4f: {  	_ =	shalt  }
0x50: {  	_ =	shalt  }
0x51: {  	_ =	shalt  }
0x52: {  	_ =	shalt  }
0x53: {  	_ =	shalt  }
0x54: {  	_ =	shalt  }
0x55: {  	_ =	shalt  }
0x56: {  	_ =	shalt  }
0x57: {  	_ =	shalt  }
0x58: {  	_ =	shalt  }
0x59: {  	_ =	shalt  }
0x5a: {  	_ =	shalt  }
0x5b: {  	_ =	shalt  }
0x5c: {  	_ =	shalt  }
0x5d: {  	_ =	shalt  }
0x5e: {  	_ =	shalt  }
0x5f: {  	_ =	shalt  }
0x60: {  	_ =	shalt  }
0x61: {  	_ =	shalt  }
0x62: {  	_ =	shalt  }
0x63: {  	_ =	shalt  }
0x64: {  	_ =	shalt  }
0x65: {  	_ =	shalt  }
0x66: {  	_ =	shalt  }
0x67: {  	_ =	shalt  }
0x68: {  	_ =	shalt  }
0x69: {  	_ =	shalt  }
0x6a: {  	_ =	shalt  }
0x6b: {  	_ =	shalt  }
0x6c: {  	_ =	shalt  }
0x6d: {  	_ =	shalt  }
0x6e: {  	_ =	shalt  }
0x6f: {  	_ =	shalt  }
0x70: {  	_ =	shalt  }
0x71: {  	_ =	shalt  }
0x72: {  	_ =	shalt  }
0x73: {  	_ =	shalt  }
0x74: {  	_ =	shalt  }
0x75: {  	_ =	shalt  }
0x76: {  	_ =	shalt  }
0x77: {  	_ =	shalt  }
0x78: {  	_ =	shalt  }
0x79: {  	_ =	shalt  }
0x7a: {  	_ =	shalt  }
0x7b: {  	_ =	shalt  }
0x7c: {  	_ =	shalt  }
0x7d: {  	_ =	shalt  }
0x7e: {  	_ =	shalt  }
0x7f: {  	_ =	shalt  }
0x80: {  	_ =	shalt  }
0x81: {  	_ =	shalt  }
0x82: {  	_ =	shalt  }
0x83: {  	_ =	shalt  }
0x84: {  	_ =	shalt  }
0x85: {  	_ =	shalt  }
0x86: {  	_ =	shalt  }
0x87: {  	_ =	shalt  }
.Lfunc_end0:
.L_simem_size_0:
called_computation_lowered:
.L_overlay_start_0:
0x88: {  	s2 =	sld [smem:$0x3FD9]  }
0x89: {  	s3 =	sld [smem:$0x3FFE];
	_ =	sdelay $0x1  }
0x8a: {  	s1 =	srdreg.scid  }
0x8b: {  	s0 =	sand.u32 $0x1, s1  }
0x8c: {  	s16 =	sshll.u32 s0, $0xA;
	s2 =	sadd.s32 s3, s2  }
0x8d: {  	s2 =	sadd.s32 s2, s16  }
0x8e: {  	[smem:$0x3FC0] =	sst s2  }
0x8f: {  	_ = 	snop  }
0x90: {  	(tm) =	ssettm $0x1  }
0x91: {  	s17 =	sld [smem:$0x3FFB];
	_ =	sdelay $0x3  }
0x92: {  	_ =	strace s17  }
0x93: {  	s2 =	sld [smem:$0x3FFC];
	_ =	sdelay $0x3  }
0x94: {  	_ =	strace s2  }
0x95: {  	s2 =	sld [smem:$0x3FFD];
	_ =	sdelay $0x3  }
0x96: {  	_ =	strace s2  }
0x97: {  	_ =	strace $0x8FFFFFFF  }
0x98: {  	s18 =	sld [smem:$0x3FDB];
	_ =	sdelay $0x1  }
0x99: {  	s19 =	simm.s32 $_scs_section_size  }
0x9a: {  	s4 =	simm.s32 $_size__tile_overlayer_lowered;
	s5 =	simm.s32 $_tile_overlayer_lowered  }
0x9b: {  	s22 =	simm.s32 $0x1BFF;
	s21 =	sshll.u32 s5, $0x1;
	s2 =	sadd.s32 s19, s18  }
0x9c: {  	s6 =	simm.s32 $0x0;
	s20 =	sshll.u32 s4, $0x1;
	s4 =	sadd.s32 s21, s2  }
0x9d: {  	[timem:s6], [sflag:s22] =	dma.local [hbm:s4], s20  }
0x9e: {  	_ =	swait.ge [sflag:s22], s20  }
0x9f: {  	s3 =	ssub.s32 $0x0, s20;
	[sflag:s22] =	ssyncset.done $0x0  }
0xa0: {  	[sflag:s22] =	ssyncadd.s32 s3;
	_ =	sdelay $0x1  }
0xa1: {  	s23 =	simm.s32 $0x1B8B  }
0xa2: {  	_ =	swait.ge [sflag:s23], $0x1  }
0xa3: {  	[sflag:s23] =	ssyncset.done $0x0  }
0xa4: {  	s25 =	simm.s32 $0x1B8E;
	s24 =	sld [smem:$0x3FFE];
	[sflag:s23] =	ssyncadd.s32 $0xFFFFFFFF  }
0xa5: {  	s26 =	simm.s32 $execute0_lowered;
	[smem:$0x3FD2] =	sst s25  }
0xa6: {  	s4 =	sshll.u32 s26, $0x1;
	_ =	strace $0x80000046;
	[dreg:$0x1] =	wrdreg $0xFFFFFFFF  }
0xa7: {  	s28 =	simm.s32 $_size_execute0_lowered;
	s2 =	sadd.s32 s2, s4;
	[dreg:$0x0] =	wrdreg $0x0  }
0xa8: {  	s4 =	sshll.u32 s28, $0x1;
	[dreg:$0x2] =	wrdreg s2  }
0xa9: {  	[dreg:$0x3] =	wrdreg s4  }
0xaa: {  	[dreg:$0x4] =	wrdreg $0xC0  }
0xab: {  	_ =	task [dreg:s6], $0x5FFFF  }
0xac: {  	[dreg:$0x1] =	wrdreg $0xFFFFFFFF  }
0xad: {  	[dreg:$0x0] =	wrdreg $0x60  }
0xae: {  	[dreg:$0x2] =	wrdreg s24  }
0xaf: {  	[dreg:$0x3] =	wrdreg $0x4E200  }
0xb0: {  	[dreg:$0x4] =	wrdreg $0x9  }
0xb1: {  	_ =	task.clear_ibuf [dreg:s6], $0x5FFFF;
	_ =	strace $0x90000046  }
0xb2: {  	s29 =	simm.s32 $0x9;
	_ =	strace $0x80000048  }
0xb3: {  	_ =	swait.ge [sflag:s29], $0x1  }
0xb4: {  	[sflag:s29] =	ssyncadd.s32 $0xFFFFFFFF  }
0xb5: {  	_ =	strace $0x90000048  }
0xb6: {  	_ =	sfence  }
0xb7: {  	s30 =	sld [smem:$0x0];
	_ =	sdelay $0x2  }
0xb8: {  	s31 =	sshll.u32 s1, $0xD;
	s1 =	sshrl.u32 s1, $0x2  }
0xb9: {  	s3 =	sand.u32 $0x4000, s31;
	s1 =	sadd.s32 s1, s30  }
0xba: {  	s0 =	sor.u32 s3, s0;
	s1 =	sshll.u32 s1, $0x11  }
0xbb: {  	s0 =	sor.u32 s1, s0  }
0xbc: {  	s0 =	sadd.s32 $0x8F2B, s0  }
0xbd: {  	[sflag:s0] =	ssyncadd.remote.s32 $0x1  }
0xbe: {  	_ =	sfence.sel $0xFFFF  }
0xbf: {  	[dreg:$0x0] =	wrdreg $0xFFFFFFFF;
	(pc) =	sbr.abs _section_cstart, $3  }
0xc0: {  	[dreg:$0x1] =	wrdreg $0xFFFFFFFF  }
0xc1: {  	_ =	task.clear_ibuf [dreg:s6], $0x2FFFF;
	_ =	strace $0x9FFFFFFF  }
0xc2: {  	(tm) =	ssettm $0x7FFFFFFF  }
0xc3: {  	_ =	shalt  }
tec
execute0_lowered:
.L_overlay_start_1:
0x0: {  	(tag) =	ssettag $0x1  }
0x1: {  	s7 =	rddreg [dreg:$0x0]  }
0x2: {  	s2 =	rddreg [dreg:$0x1]  }
0x3: {  	s0 =	rddreg [dreg:$0x2];
	s3 =	simm.s32 $0x0;
	s1 =	stileid.u32  }
0x4: {  	s5 =	srdreg.scid;
	s15 =	simm.s32 $0xC2200;
	s16 =	simm.s32 $0x320  }
0x5: {  	s17 =	simm.s32 $0x1C20;
	s18 =	simm.s32 $0x3520;
	s19 =	simm.s32 $0x0  }
0x6: {  	[smem:$0x7FF] =	sst s3;
	s8 =	smul.u32 $0x2780, s1;
	s4 =	sadd.s32 $0x16E00, s7  }
0x7: {  	v0 =	vimm.s32 $0xFEDCBA98;
	s9 =	sand.u32 $0x1, s5;
	s5 =	sadd.s32 $0xD000, s7;
	s6 =	sadd.s32 $0x3200, s7  }
0x8: {  	v1 =	vimm.s32 $0x76543210;
	s31 =	sshll.u32 s1, $0x6;
	v0 =	vunpack.c.l.s4.s8 v0;
	_ =	strace $0x80000047;
	s11 =	ssub.s32 $0x2, s9  }
0x9: {  	v1 =	vunpack.c.l.s4.s8 v1;
	s14 =	sshll.u32 s9, $0x4;
	p0 =	seq.s32 s9, $0x1;
	s9 =	sor.u32 $0x1C01, s31  }
0xa: {  	s10 =	sshrl.u32 s8, $0x3;
	s30 =	sshrl.u32 s11, $0x1;
	s13 =	sadd.s32 s8, s2;
	v0 =	vunpack.c.0.s8.s32 v0  }
0xb: {  	s14 =	sor.u32 s1, s14;
	s15 =	simm.s32 @!p0 $0xBD200;
	v1 =	vunpack.c.0.s8.s32 v1;
	s12 =	sadd.s32 s10, s7  }
0xc: {  	s7 =	sadd.s32 $0x20E00, s7;
	s11 =	ssub.s32 s11, s30;
	s10 =	smul.u32 $0x2710, s14;
	v0 =	vand.u32 $0xF, v0  }
0xd: {  	s13 =	sshrl.u32 s13, $0x3;
	s14 =	simm.s32 $0x1;
	s8 =	sadd.s32 $0x1BE00, s12;
	v0 =	vcombine.low v0, v1  }
0xe: {  	s11 =	smax.u32 s11, $0x1;
	s12 =	sadd.s32 s15, s12;
	s15 =	simm.s32 $0x190  }
.LBB2_1:
0xf: {  	[spmem:s13], [sflag:s9] =	dma.local [hbm:s8], $0x4F0  }
0x10: {  	_ =	swait.ge [sflag:s14], $0x4F0  }
0x11: {  	[sflag:s14] =	ssyncset.done $0x0  }
0x12: {  	[sflag:s14] =	ssyncadd.s32 $0xFFFFFB10  }
0x13: {  	s20 =	simm.s32 $0x0;
	[bflag:$0x0] =	sbarrier.arrive $0xFFFF  }
.LBB2_2:
0x14: {  	s21 =	smul.u32 $0x190, s20;
	_ =	sdelay $0x1  }
0x15: {  	s21 =	sadd.s32 s10, s21  }
0x16: {  	s22 =	sshrl.u32 s21, $0x3  }
0x17: {  	s24 =	simm.s32 $0x0;
	s23 =	sadd.s32 s5, s22  }
0x18: {  	[tilespmem:s24], [sflag:$0x1] =	stream.linear.gather [hbm4b:s23+s24], $0x190, $0x38;
	[tilespmem:$0x75A0] =	vst v63  }
0x19: {  	_ =	swait.ge [sflag:s14], $0x190  }
0x1a: {  	[sflag:s14] =	ssyncset.done $0x0  }
0x1b: {  	s22 =	sadd.s32 s6, s22;
	[sflag:s14] =	ssyncadd.s32 $0xFFFFFE70  }
0x1c: {  	[tilespmem:s15], [sflag:$0x1] =	stream.linear.gather [hbm4b:s22+s24], $0x190, $0x38;
	[tilespmem:$0x75A0] =	vst v63  }
0x1d: {  	_ =	swait.ge [sflag:s14], $0x190  }
0x1e: {  	[sflag:s14] =	ssyncset.done $0x0  }
0x1f: {  	[sflag:s14] =	ssyncadd.s32 $0xFFFFFE70  }
0x20: {  	[tilespmem:s16], [sflag:$0x1] =	stream.indirect.gather [hbm4b:s4+s15], $0x10, s24, s15, $0xb8;
	[tilespmem:$0x75A0] =	vst v63  }
0x21: {  	_ =	swait.ge [sflag:s14], $0x1900  }
0x22: {  	[sflag:s14] =	ssyncset.done $0x0  }
0x23: {  	[sflag:s14] =	ssyncadd.s32 $0xFFFFE700  }
0x24: {  	[tilespmem:s17], [sflag:$0x1] =	stream.indirect.gather [hbm4b:s4+s15], $0x10, s15, s15, $0xb8;
	[tilespmem:$0x75A0] =	vst v63  }
0x25: {  	_ =	swait.ge [sflag:s14], $0x1900  }
0x26: {  	[sflag:s14] =	ssyncset.done $0x0  }
0x27: {  	s22 =	simm.s32 $0x0;
	[sflag:s14] =	ssyncadd.s32 $0xFFFFE700  }
0x28: {  	s23 =	simm.s32 $0x10;
	v1 =	vld [tilespmem:s22+$0x1C20]  }
0x29: {  	v2 =	vld [tilespmem:s23+$0x1C20]  }
0x2a: {  	v3 =	vld [tilespmem:s22+$0x320];
	_ =	sdelay $0x1  }
0x2b: {  	v4 =	vld [tilespmem:s23+$0x320]  }
0x2c: {  	v1 =	vperm.xlane v1, v0;
	_ =	sdelay $0x1  }
0x2d: {  	v2 =	vperm.xlane v2, v0;
	v1 =	vadd.f32 v1, v3;
	_ =	sdelay $0x1  }
0x2e: {  	v2 =	vadd.f32 v2, v4;
	v4 =	vmul.f32 $2.000000030e-01, v1  }
0x2f: {  	vm0 =	vgt.f32 v1, $0.0e+00  }
0x30: {  	s24 =	simm.s32 $0x20;
	v1 =	vsel vm0, v1, v4  }
0x31: {  	v5 =	vld [tilespmem:s24+$0x1C20];
	v1 =	vmul.f32 $1.442695020e+00, v1;
	_ =	sdelay $0x1  }
0x32: {  	v3 =	vld [tilespmem:s24+$0x320];
	v6 =	vmul.f32 $2.000000030e-01, v2;
	(erf) = vpow2.f32 v1  }
0x33: {  	vm0 =	vgt.f32 v2, $0.0e+00  }
0x34: {  	v2 =	vsel vm0, v2, v6  }
0x35: {  	s25 =	simm.s32 $0x30;
	v4 =	vperm.xlane v5, v0;
	v5 =	vmul.f32 $1.442695020e+00, v2  }
0x36: {  	v1 =	vld [tilespmem:s25+$0x1C20]  }
0x37: {  	v2 =	vadd.f32 v4, v3;
	(erf) = vpow2.f32 v5  }
0x38: {  	v3 =	vld [tilespmem:s25+$0x320]  }
0x39: {  	v4 =	vmul.f32 $2.000000030e-01, v2  }
0x3a: {  	s26 =	simm.s32 $0x100;
	vm0 =	vgt.f32 v2, $0.0e+00  }
.LBB2_3:
0x3b: {  	s28 =	sshra.s32 s26, $0x2;
	p0 =	sne.s32 s26, $0x63C0;
	s26 =	sadd.s32 $0x40, s26;
	v5 =	vperm.xlane v1, v0;
	v2 =	vsel vm0, v2, v4;
	v4 =	vpop (erf)  }
.Ltmp0:
0x3c: {  	v1 =	vld [tilespmem:s28+$0x1C20];
	v6 =	vmul.f32 $1.442695020e+00, v2;
	[tilespmem:s22+$0x3520] =	vst v4;
	s22 =	smov.u32 s23;
	s23 =	smov.u32 s24;
	(pc) =	sbr.rel @p0 .LBB2_3-.Ltmp0, $4  }
0x3d: {  	s24 =	smov.u32 s25;
	s25 =	smov.u32 s28;
	v2 =	vadd.f32 v5, v3  }
0x3e: {  	v3 =	vld [tilespmem:s25+$0x320];
	(erf) = vpow2.f32 v6  }
0x3f: {  	v4 =	vmul.f32 $2.000000030e-01, v2  }
0x40: {  	vm0 =	vgt.f32 v2, $0.0e+00  }
0x41: {  	v1 =	vperm.xlane v1, v0;
	_ =	sdelay $0x1  }
0x42: {  	v1 =	vadd.f32 v1, v3;
	_ =	sdelay $0x1  }
0x43: {  	v3 =	vmul.f32 $2.000000030e-01, v1  }
0x44: {  	v2 =	vsel vm0, v2, v4;
	vm15 =	vgt.f32 v1, $0.0e+00  }
0x45: {  	v2 =	vmul.f32 $1.442695020e+00, v2;
	v1 =	vsel vm15, v1, v3  }
0x46: {  	v1 =	vmul.f32 $1.442695020e+00, v1  }
0x47: {  	(erf) = vpow2.f32 v2  }
0x48: {  	(erf) = vpow2.f32 v1;
	_ =	sdelay $0x5  }
0x49: {  	v1 =	vpop (erf)  }
0x4a: {  	v2 =	vpop (erf);
	[tilespmem:s22+$0x3520] =	vst v1  }
0x4b: {  	[tilespmem:s23+$0x3520] =	vst v2;
	v1 =	vpop (erf)  }
0x4c: {  	s21 =	sshll.u32 s21, $0x1;
	[tilespmem:s24+$0x3520] =	vst v1;
	v1 =	vpop (erf)  }
0x4d: {  	s21 =	sadd.s32 s7, s21;
	[tilespmem:s25+$0x3520] =	vst v1  }
0x4e: {  	[hbm4b:s21+s3] =	stream.linear.scatter [tilespmem:s18], [sflag:$0x1], $0x1900, $0x38;
	[tilespmem:$0x75A0] =	vst v63  }
0x4f: {  	s20 =	sadd.s32 $0x1, s20;
	_ =	swait.ge [sflag:s14], $0x1900  }
0x50: {  	p0 =	sne.s32 s20, $0x19;
	[sflag:s14] =	ssyncset.done $0x0  }
.Ltmp1:
0x51: {  	[sflag:s14] =	ssyncadd.s32 $0xFFFFE700;
	(pc) =	sbr.rel @p0 .LBB2_2-.Ltmp1, $4  }
0x52: {  	[spmem:s2] =	stream.indirect.scatter.add.f32 [tilespmem:s18], [sflag:$0x1], $0x10, s15, s15, $0xb8;
	[tilespmem:$0x75A0] =	vst v63  }
0x53: {  	_ =	swait.ge [sflag:s14], $0x1900  }
0x54: {  	[sflag:s14] =	ssyncset.done $0x0  }
0x55: {  	[sflag:s14] =	ssyncadd.s32 $0xFFFFE700  }
0x56: {  	s19 =	sadd.s32 $0x1, s19  }
0x57: {  	p0 =	sne.s32 s19, s11  }
.Ltmp2:
0x58: {  	[bflag:$0x0] =	sbarrier.arrive $0xFFFF;
	(pc) =	sbr.rel @p0 .LBB2_1-.Ltmp2, $4  }
0x59: {  	[hbm:s12], [sflag:s9] =	dma.local [spmem:s13], $0x4F0  }
0x5a: {  	_ =	swait.ge [sflag:s14], $0x4F0  }
0x5b: {  	[sflag:s14] =	ssyncset.done $0x0  }
0x5c: {  	[sflag:s14] =	ssyncadd.s32 $0xFFFFFB10  }
0x5d: {  	_ =	sfence.sel $0x180000  }
0x5e: {  	[bflag:$0x0] =	sbarrier.arrive $0xFFFF  }
0x5f: {  	p0 =	sne.s32 s1, $0x0;
	_ =	strace $0x90000047  }
0x60: {  	s0 =	sadd.s32 @!p0 $0x100000, s0;
	[bflag:$0x2] =	sbarrier.arrive $0xFFFF  }
0x61: {  	[sflag:s0] =	ssyncadd.tile.s32 @!p0 $0x1;
	_ =	shalt  }
.Lfunc_end2:
_tile_overlayer_lowered:
.L_overlay_start_2:
0x62: {  	(tag) =	ssettag $0x2  }
0x63: {  	s0 =	rddreg [dreg:$0x0];
	s2 =	stileid.u32  }
0x64: {  	s1 =	rddreg [dreg:$0x1];
	p0 =	sne.s32 s2, $0x0  }
0x65: {  	s3 =	rddreg [dreg:$0x2];
	[bflag:$0x3] =	sbarrier.arrive $0xFFFF;
	s2 =	simm.s32 @!p0 $0x1C01  }
0x66: {  	[timem:s3], [sflag:s2] =	dma.local @!p0 [hbm:s0], s1  }
0x67: {  	s0 =	simm.s32 @!p0 $0x1  }
0x68: {  	_ =	swait.ge @!p0 [sflag:s0], s1  }
0x69: {  	s1 =	ssub.s32 @!p0 $0x0, s1;
	[sflag:s0] =	ssyncset.done @!p0 $0x0  }
0x6a: {  	[sflag:s0] =	ssyncadd.s32 @!p0 s1  }
0x6b: {  	[bflag:$0x3] =	sbarrier.arrive $0xFFFF  }
0x6c: {  	_ =	shalt  }

</sc_bundles>
